<compile_context>
chip_gen: v7x
topology: tpu7x:2x2x1
jax: 0.10.2.dev20260603
libtpu: 0.0.44.dev20260713+nightly
codegen_flags: <defaults>
</compile_context>

<pallas_src>
import functools

import jax
import jax.numpy as jnp
import numpy as np
from jax import lax
from jax.experimental import pallas as pl
from jax.experimental.pallas import tpu as pltpu
from jax.experimental.pallas import tpu_sc as plsc

N_LEVELS = 16
BASE_RES = 16
TABLE_SIZE = 2 ** 15

P1 = -1640531535
P2 = 805459861

CHUNK = 4096
BN = 4096


def _encode_body(tabs, xt_h, bnds, out, tab_v, xyz_v,
                 xc_v, yc_v, zc_v, idx_v, f_v, m_v, b_v):
    c = lax.axis_index("c")
    s = lax.axis_index("s")
    n = xt_h.shape[0] // 3
    half_n = n // 2
    is_mask_tile = s == 0

    pltpu.sync_copy(tabs.at[pl.ds(s * (2 * TABLE_SIZE), 2 * TABLE_SIZE)],
                    tab_v)
    pltpu.sync_copy(bnds, b_v)

    mnx = b_v[pl.ds(0, 16)]
    mny = b_v[pl.ds(16, 16)]
    mnz = b_v[pl.ds(32, 16)]
    rgx = b_v[pl.ds(48, 16)]
    rgy = b_v[pl.ds(64, 16)]
    rgz = b_v[pl.ds(80, 16)]

    res_i = lax.shift_left(jnp.int32(BASE_RES), s)
    resv = jnp.broadcast_to(res_i, (16,)).astype(jnp.float32)
    hi16 = jnp.int32(-65536)
    lane16 = lax.iota(jnp.int32, 16)

    def chunk_body(k, _):
        g = c * (half_n // CHUNK) + k
        pltpu.sync_copy(xt_h.at[pl.ds(g * (3 * CHUNK), 3 * CHUNK)], xyz_v)

        def p1_body(i, cnt):
            off = i * 16
            x01 = (xyz_v[pl.ds(off, 16)] - mnx) / rgx
            y01 = (xyz_v[pl.ds(CHUNK + off, 16)] - mny) / rgy
            z01 = (xyz_v[pl.ds(2 * CHUNK + off, 16)] - mnz) / rgz
            inb = ((x01 >= 0.0) & (x01 <= 1.0)
                   & (y01 >= 0.0) & (y01 <= 1.0)
                   & (z01 >= 0.0) & (z01 <= 1.0))
            plsc.store_compressed(xc_v.at[pl.ds(cnt, 16)], x01, mask=inb)
            plsc.store_compressed(yc_v.at[pl.ds(cnt, 16)], y01, mask=inb)
            plsc.store_compressed(zc_v.at[pl.ds(cnt, 16)], z01, mask=inb)
            plsc.store_compressed(idx_v.at[pl.ds(cnt, 16)], lane16 + off, mask=inb)

            @pl.when(is_mask_tile)
            def _():
                m_v[pl.ds(off, 16)] = jnp.where(inb, jnp.float32(1.0),
                                                jnp.float32(0.0))
            return cnt + plsc.all_reduce_population_count(inb)[0]

        cnt = lax.fori_loop(0, CHUNK // 16, p1_body, jnp.int32(0))
        idx_v[pl.ds(cnt, 16)] = lane16 + 4 * CHUNK

        def p2_body(j, _):
            off = j * 16
            x01 = xc_v[pl.ds(off, 16)]
            y01 = yc_v[pl.ds(off, 16)]
            z01 = zc_v[pl.ds(off, 16)]
            idxv = idx_v[pl.ds(off, 16)]
            px = x01 * resv
            py = y01 * resv
            pz = z01 * resv
            pxi = px.astype(jnp.int32)
            pyi = py.astype(jnp.int32)
            pzi = pz.astype(jnp.int32)
            fx = px - pxi.astype(jnp.float32)
            fy = py - pyi.astype(jnp.float32)
            fz = pz - pzi.astype(jnp.float32)
            gx = 1.0 - fx
            gy = 1.0 - fy
            gz = 1.0 - fz
            hx = [pxi, pxi + 1]
            hy0 = pyi * P1
            hy = [hy0, hy0 + P1]
            hz0 = pzi * P2
            hz = [hz0, hz0 + P2]
            wxy = [gx * gy, fx * gy, gx * fy, fx * fy]
            wz = [gz, fz]
            acc = [jnp.zeros((16,), jnp.float32) for _ in range(4)]
            for corner in range(8):
                bx = corner & 1
                by = (corner >> 1) & 1
                bz = corner >> 2
                h = hx[bx] ^ hy[by] ^ hz[bz]
                idx2 = lax.shift_left(h & (TABLE_SIZE - 1), 1)
                w0 = plsc.load_gather(tab_v, [idx2])
                w1 = plsc.load_gather(tab_v, [idx2 | 1])
                a0 = plsc.bitcast(lax.shift_left(w0, 16), jnp.float32)
                a1 = plsc.bitcast(w0 & hi16, jnp.float32)
                a2 = plsc.bitcast(lax.shift_left(w1, 16), jnp.float32)
                a3 = plsc.bitcast(w1 & hi16, jnp.float32)
                w = wxy[bx + 2 * by] * wz[bz]
                acc[0] = acc[0] + w * a0
                acc[1] = acc[1] + w * a1
                acc[2] = acc[2] + w * a2
                acc[3] = acc[3] + w * a3
            plsc.store_scatter(f_v, [idxv], acc[0])
            plsc.store_scatter(f_v, [idxv + CHUNK], acc[1])
            plsc.store_scatter(f_v, [idxv + 2 * CHUNK], acc[2])
            plsc.store_scatter(f_v, [idxv + 3 * CHUNK], acc[3])
            return None

        nv = lax.shift_right_logical(cnt + 15, 4)
        lax.fori_loop(0, nv, p2_body, None)

        slab = g * (72 * CHUNK)
        pltpu.sync_copy(f_v.at[pl.ds(0, 4 * CHUNK)],
                        out.at[pl.ds(slab + 4 * s * CHUNK, 4 * CHUNK)])

        @pl.when(is_mask_tile)
        def _():
            pltpu.sync_copy(m_v, out.at[pl.ds(slab + 64 * CHUNK, CHUNK)])
        return None

    lax.fori_loop(0, half_n // CHUNK, chunk_body, None)


def _mlp_body(enc_ref, w0_ref, w1_ref, w2_ref, out_ref):
    e = enc_ref[...]
    enc = e[0:64]
    maskf = e[64:65]
    dn = (((0,), (0,)), ((), ()))
    h = jnp.maximum(
        lax.dot_general(w0_ref[...], enc, dn,
                        preferred_element_type=jnp.float32), 0.0)
    h = jnp.maximum(
        lax.dot_general(w1_ref[...], h, dn,
                        preferred_element_type=jnp.float32), 0.0)
    r = lax.dot_general(w2_ref[...], h, dn,
                        preferred_element_type=jnp.float32)
    m = maskf > 0.5
    dxyz = jnp.where(m, r[0:3], 0.0)
    rot0 = jnp.where(m, r[3:4], 1.0)
    rot123 = jnp.where(m, r[4:7], 0.0)
    out_ref[...] = jnp.concatenate([dxyz, rot0, rot123, maskf], axis=0)


def kernel(xyz, table, W0, W1, W2, xyz_bound_min, xyz_bound_max):
    n = xyz.shape[0]
    xt_h = (xyz.T.reshape(3, n // CHUNK, CHUNK)
            .transpose(1, 0, 2).reshape(3 * n))
    tb = table.astype(jnp.bfloat16)
    tabs = jax.lax.bitcast_convert_type(
        tb.reshape(N_LEVELS, TABLE_SIZE, 2, 2), jnp.int32
    ).reshape(N_LEVELS * TABLE_SIZE * 2)
    rng = xyz_bound_max - xyz_bound_min
    bnds = jnp.concatenate([
        jnp.broadcast_to(xyz_bound_min[:, None], (3, 16)),
        jnp.broadcast_to(rng[:, None], (3, 16)),
    ]).reshape(96)

    mesh = plsc.VectorSubcoreMesh(core_axis_name="c", subcore_axis_name="s",
                                  num_cores=2, num_subcores=16)
    encode = functools.partial(
        pl.kernel,
        out_type=jax.ShapeDtypeStruct((72 * n,), jnp.float32),
        mesh=mesh,
        compiler_params=pltpu.CompilerParams(needs_layout_passes=False),
        scratch_types=[
            pltpu.VMEM((2 * TABLE_SIZE,), jnp.int32),
            pltpu.VMEM((3 * CHUNK,), jnp.float32),
            pltpu.VMEM((CHUNK + 16,), jnp.float32),
            pltpu.VMEM((CHUNK + 16,), jnp.float32),
            pltpu.VMEM((CHUNK + 16,), jnp.float32),
            pltpu.VMEM((CHUNK + 16,), jnp.int32),
            pltpu.VMEM((7 * CHUNK + 16,), jnp.float32),
            pltpu.VMEM((CHUNK,), jnp.float32),
            pltpu.VMEM((96,), jnp.float32),
        ],
    )(_encode_body)
    enc = encode(tabs, xt_h, bnds).reshape((n // CHUNK) * 72, CHUNK)

    out8 = pl.pallas_call(
        _mlp_body,
        grid=(n // BN,),
        in_specs=[
            pl.BlockSpec((72, BN), lambda i: (i, 0)),
            pl.BlockSpec((64, 64), lambda i: (0, 0)),
            pl.BlockSpec((64, 64), lambda i: (0, 0)),
            pl.BlockSpec((64, 8), lambda i: (0, 0)),
        ],
        out_specs=pl.BlockSpec((8, BN), lambda i: (0, i)),
        out_shape=jax.ShapeDtypeStruct((8, n), jnp.float32),
    )(enc, W0, W1, W2)

    mask = out8[7] > 0.0
    d_xyz = out8[0:3].T
    d_rot = out8[3:7].T
    return (mask, d_xyz, d_rot)

# --- scband reference (transcript-rebuilt; emitter-appended) ---
"""Pipeline reference for scband-neural-transformation-cache-55044300866028 (READ-ONLY COPY).

The authoritative reference and input builder live on the scoring server;
editing this copy changes nothing except your own understanding.
"""

import jax, jax.numpy as jnp
import numpy as np

N_POINTS = 262144
N_LEVELS = 16
BASE_RES = 16
TABLE_SIZE = 2 ** 15
N_FEAT = 4
D_HIDDEN = 64
D_OUT = 8

PRIME1 = np.uint32(2654435761)
PRIME2 = np.uint32(805459861)


def setup_inputs(seed: int = 0) -> dict:
    key = jax.random.key(seed)
    k1, k2, k3, k4, k5 = jax.random.split(key, 5)
    xyz = jax.random.normal(k1, (N_POINTS, 3), dtype=jnp.float32)
    # tcnn HashGrid init: uniform(-1e-4, 1e-4)
    table = jax.random.uniform(k2, (N_LEVELS, TABLE_SIZE, N_FEAT), dtype=jnp.float32,
                               minval=-1e-4, maxval=1e-4)
    d_in = N_LEVELS * N_FEAT
    W0 = jax.random.normal(k3, (d_in, D_HIDDEN), dtype=jnp.float32) * (1.0 / np.sqrt(d_in))
    W1 = jax.random.normal(k4, (D_HIDDEN, D_HIDDEN), dtype=jnp.float32) * (1.0 / np.sqrt(D_HIDDEN))
    W2 = jax.random.normal(k5, (D_HIDDEN, D_OUT), dtype=jnp.float32) * (1.0 / np.sqrt(D_HIDDEN))
    xyz_bound_min = jnp.array([-1.0, -1.0, -1.0], dtype=jnp.float32)
    xyz_bound_max = jnp.array([1.0, 1.0, 1.0], dtype=jnp.float32)
    return {"xyz": xyz, "table": table, "W0": W0, "W1": W1, "W2": W2,
            "xyz_bound_min": xyz_bound_min, "xyz_bound_max": xyz_bound_max}


def _hashgrid_encode(x01, table):
    # x01: [M, 3] in [0, 1]; table: [L, T, F]
    feats = []
    for lvl in range(N_LEVELS):
        res = BASE_RES * (2 ** lvl)  # per_level_scale = 2.0
        pos = x01 * jnp.float32(res)
        pos0 = jnp.floor(pos)
        frac = pos - pos0
        pos0u = pos0.astype(jnp.uint32)
        level_feat = jnp.zeros((x01.shape[0], N_FEAT), dtype=jnp.float32)
        for corner in range(8):
            offs = np.array([(corner >> 0) & 1, (corner >> 1) & 1, (corner >> 2) & 1], dtype=np.uint32)
            c = pos0u + jnp.asarray(offs)[None, :]
            h = c[:, 0] ^ (c[:, 1] * PRIME1) ^ (c[:, 2] * PRIME2)
            idx = (h % np.uint32(TABLE_SIZE)).astype(jnp.int32)
            gathered = jnp.take(table[lvl], idx, axis=0)  # [M, F] gather from hash table
            sel = jnp.asarray(offs.astype(np.float32))[None, :]
            w = jnp.prod(sel * frac + (1.0 - sel) * (1.0 - frac), axis=1)
            level_feat = level_feat + w[:, None] * gathered
        feats.append(level_feat)
    return jnp.concatenate(feats, axis=-1)  # [M, 64]


def _mlp(x, W0, W1, W2):
    h = jax.nn.relu(x @ W0)
    h = jax.nn.relu(h @ W1)
    return h @ W2  # output_activation: None


def reference(xyz, table, W0, W1, W2, xyz_bound_min, xyz_bound_max):
    # get_contracted_xyz runs under torch.no_grad() -> stop_gradient
    contracted = jax.lax.stop_gradient((xyz - xyz_bound_min) / (xyz_bound_max - xyz_bound_min))
    mask = jnp.all((contracted >= 0) & (contracted <= 1), axis=1)
    enc = _hashgrid_encode(contracted, table)
    resi = _mlp(enc, W0, W1, W2)
    masked_d_xyz = resi[:, :3]
    masked_d_rot = resi[:, 3:7]
    n = xyz.shape[0]
    d_xyz_base = jnp.zeros((n, 3), dtype=jnp.float32)
    d_rot_base = jnp.zeros((n, 4), dtype=jnp.float32).at[:, 0].set(1.0)
    d_xyz = jnp.where(mask[:, None], masked_d_xyz, d_xyz_base)
    d_rot = jnp.where(mask[:, None], masked_d_rot, d_rot_base)
    return (mask, d_xyz, d_rot)

if __name__ == "__main__":
    import jax
    _d = setup_inputs()
    print(jax.jit(kernel)(*tuple(_d.values())))

</pallas_src>

<mosaic_0001>
#map = affine_map<(d0, d1) -> (0)>
module attributes {stable_mosaic.version = 14 : i64} {
  func.func @_encode_body(%arg0: i32, %arg1: i32, %arg2: memref<1048576xi32, #tpu.memory_space<hbm>>, %arg3: memref<786432xf32, #tpu.memory_space<hbm>>, %arg4: memref<96xf32, #tpu.memory_space<hbm>>, %arg5: memref<18874368xf32, #tpu.memory_space<hbm>>, %arg6: memref<65536xi32, #tpu.memory_space<vmem>>, %arg7: memref<12288xf32, #tpu.memory_space<vmem>>, %arg8: memref<4112xf32, #tpu.memory_space<vmem>>, %arg9: memref<4112xf32, #tpu.memory_space<vmem>>, %arg10: memref<4112xf32, #tpu.memory_space<vmem>>, %arg11: memref<4112xi32, #tpu.memory_space<vmem>>, %arg12: memref<28688xf32, #tpu.memory_space<vmem>>, %arg13: memref<4096xf32, #tpu.memory_space<vmem>>, %arg14: memref<96xf32, #tpu.memory_space<vmem>>) attributes {dimension_semantics = [#tpu.dimension_semantics<core_parallel>, #tpu.dimension_semantics<subcore_parallel>], iteration_bounds = array<i64: 2, 16>, scalar_prefetch = 0 : i64, scratch_operands = 9 : i64, tpu.core_type = #tpu.core_type<sc_vector_subcore>, window_params = [{transform_indices = #map}, {transform_indices = #map}, {transform_indices = #map}, {transform_indices = #map}]} {
    %eq3A = arith.constant 0 : i32
    %eq3A_0 = arith.cmpi eq, %arg1, %eq3A : i32
    %mul3A = arith.constant 65536 : i32
    %mul3A_1 = arith.muli %arg1, %mul3A : i32
    "tpu.region"() ({
      %run_scoped3A = tpu.sem_alloc : memref<!tpu.dma_semaphore, #tpu.memory_space<semaphore_mem>>
      %dma_start3A = tpu.memref_slice %arg2[%mul3A_1] : memref<1048576xi32, #tpu.memory_space<hbm>> -> memref<65536xi32, #tpu.memory_space<hbm>>
      %dma_start3A_19 = tpu.memref_slice %arg2[%mul3A_1] : memref<1048576xi32, #tpu.memory_space<hbm>> -> memref<65536xi32, #tpu.memory_space<hbm>>
      tpu.enqueue_dma source(%dma_start3A_19 : memref<65536xi32, #tpu.memory_space<hbm>>) target(%arg6 : memref<65536xi32, #tpu.memory_space<vmem>>) target_semaphore(%run_scoped3A : memref<!tpu.dma_semaphore, #tpu.memory_space<semaphore_mem>>)
      %dma_wait3A = tpu.memref_slice %arg2[%mul3A_1] : memref<1048576xi32, #tpu.memory_space<hbm>> -> memref<65536xi32, #tpu.memory_space<hbm>>
      %dma_wait3A_20 = tpu.memref_slice %arg2[%mul3A_1] : memref<1048576xi32, #tpu.memory_space<hbm>> -> memref<65536xi32, #tpu.memory_space<hbm>>
      tpu.wait_dma2 semaphore(%run_scoped3A : memref<!tpu.dma_semaphore, #tpu.memory_space<semaphore_mem>>) src(%dma_wait3A_20 : memref<65536xi32, #tpu.memory_space<hbm>>) dst(%arg6 : memref<65536xi32, #tpu.memory_space<vmem>>)
      tpu.yield
    }) : () -> ()
    "tpu.region"() ({
      %run_scoped3A = tpu.sem_alloc : memref<!tpu.dma_semaphore, #tpu.memory_space<semaphore_mem>>
      tpu.enqueue_dma source(%arg4 : memref<96xf32, #tpu.memory_space<hbm>>) target(%arg14 : memref<96xf32, #tpu.memory_space<vmem>>) target_semaphore(%run_scoped3A : memref<!tpu.dma_semaphore, #tpu.memory_space<semaphore_mem>>)
      tpu.wait_dma2 semaphore(%run_scoped3A : memref<!tpu.dma_semaphore, #tpu.memory_space<semaphore_mem>>) src(%arg4 : memref<96xf32, #tpu.memory_space<hbm>>) dst(%arg14 : memref<96xf32, #tpu.memory_space<vmem>>)
      tpu.yield
    }) : () -> ()
    %get3A = arith.constant 0 : index
    %get3A_2 = tpu.vector_load %arg14[%get3A] {strides = array<i32>} : memref<96xf32, #tpu.memory_space<vmem>>, vector<16xf32>,
    %get3A_3 = arith.constant 16 : index
    %get3A_4 = tpu.vector_load %arg14[%get3A_3] {strides = array<i32>} : memref<96xf32, #tpu.memory_space<vmem>>, vector<16xf32>,
    %get3A_5 = arith.constant 32 : index
    %get3A_6 = tpu.vector_load %arg14[%get3A_5] {strides = array<i32>} : memref<96xf32, #tpu.memory_space<vmem>>, vector<16xf32>,
    %get3A_7 = arith.constant 48 : index
    %get3A_8 = tpu.vector_load %arg14[%get3A_7] {strides = array<i32>} : memref<96xf32, #tpu.memory_space<vmem>>, vector<16xf32>,
    %get3A_9 = arith.constant 64 : index
    %get3A_10 = tpu.vector_load %arg14[%get3A_9] {strides = array<i32>} : memref<96xf32, #tpu.memory_space<vmem>>, vector<16xf32>,
    %get3A_11 = arith.constant 80 : index
    %get3A_12 = tpu.vector_load %arg14[%get3A_11] {strides = array<i32>} : memref<96xf32, #tpu.memory_space<vmem>>, vector<16xf32>,
    %shift_left3A = arith.constant 16 : i32
    %shift_left3A_13 = arith.shli %shift_left3A, %arg1 : i32
    %broadcast_in_dim3A = vector.broadcast %shift_left3A_13 : i32 to vector<16xi32>
    %convert_element_type3A = arith.sitofp %broadcast_in_dim3A : vector<16xi32> to vector<16xf32>
    %iota3A = tpu.iota {dimensions = array<i32: 0>} : vector<16xi32>
    %scan3A = arith.constant -65536 : i32
    %scan3A_14 = arith.constant 0 : i32
    %scan3A_15 = arith.constant 32 : i32
    %scan3A_16 = arith.addi %scan3A_14, %scan3A_15 : i32
    %scan3A_17 = arith.constant 1 : i32
    scf.for %scan3A_19 = %scan3A_14 to %scan3A_16 step %scan3A_17  : i32 {
      %mul3A_20 = arith.constant 32 : i32
      %mul3A_21 = arith.muli %arg0, %mul3A_20 : i32
      %add3A = arith.addi %mul3A_21, %scan3A_19 : i32
      %mul3A_22 = arith.constant 12288 : i32
      %mul3A_23 = arith.muli %add3A, %mul3A_22 : i32
      "tpu.region"() ({
        %run_scoped3A = tpu.sem_alloc : memref<!tpu.dma_semaphore, #tpu.memory_space<semaphore_mem>>
        %dma_start3A = tpu.memref_slice %arg3[%mul3A_23] : memref<786432xf32, #tpu.memory_space<hbm>> -> memref<12288xf32, #tpu.memory_space<hbm>>
        %dma_start3A_55 = tpu.memref_slice %arg3[%mul3A_23] : memref<786432xf32, #tpu.memory_space<hbm>> -> memref<12288xf32, #tpu.memory_space<hbm>>
        tpu.enqueue_dma source(%dma_start3A_55 : memref<12288xf32, #tpu.memory_space<hbm>>) target(%arg7 : memref<12288xf32, #tpu.memory_space<vmem>>) target_semaphore(%run_scoped3A : memref<!tpu.dma_semaphore, #tpu.memory_space<semaphore_mem>>)
        %dma_wait3A = tpu.memref_slice %arg3[%mul3A_23] : memref<786432xf32, #tpu.memory_space<hbm>> -> memref<12288xf32, #tpu.memory_space<hbm>>
        %dma_wait3A_56 = tpu.memref_slice %arg3[%mul3A_23] : memref<786432xf32, #tpu.memory_space<hbm>> -> memref<12288xf32, #tpu.memory_space<hbm>>
        tpu.wait_dma2 semaphore(%run_scoped3A : memref<!tpu.dma_semaphore, #tpu.memory_space<semaphore_mem>>) src(%dma_wait3A_56 : memref<12288xf32, #tpu.memory_space<hbm>>) dst(%arg7 : memref<12288xf32, #tpu.memory_space<vmem>>)
        tpu.yield
      }) : () -> ()
      %scan3A_24 = arith.constant 0 : i32
      %scan3A_25 = arith.constant 0 : i32
      %scan3A_26 = arith.constant 256 : i32
      %scan3A_27 = arith.addi %scan3A_25, %scan3A_26 : i32
      %scan3A_28 = arith.constant 1 : i32
      %scan3A_29 = scf.for %scan3A_55 = %scan3A_25 to %scan3A_27 step %scan3A_28 iter_args(%scan3A_56 = %scan3A_24) -> (i32)  : i32 {
        %mul3A_57 = arith.constant 16 : i32
        %mul3A_58 = arith.muli %scan3A_55, %mul3A_57 : i32
        %get3A_59 = arith.index_cast %mul3A_58 : i32 to index
        %get3A_60 = tpu.vector_load %arg7[%get3A_59] {strides = array<i32>} : memref<12288xf32, #tpu.memory_space<vmem>>, vector<16xf32>,
        %sub3A = arith.subf %get3A_60, %get3A_2 : vector<16xf32>
        %div3A = arith.divf %sub3A, %get3A_8 : vector<16xf32>
        %add3A_61 = arith.constant 4096 : i32
        %add3A_62 = arith.addi %add3A_61, %mul3A_58 : i32
        %get3A_63 = arith.index_cast %add3A_62 : i32 to index
        %get3A_64 = tpu.vector_load %arg7[%get3A_63] {strides = array<i32>} : memref<12288xf32, #tpu.memory_space<vmem>>, vector<16xf32>,
        %sub3A_65 = arith.subf %get3A_64, %get3A_4 : vector<16xf32>
        %div3A_66 = arith.divf %sub3A_65, %get3A_10 : vector<16xf32>
        %add3A_67 = arith.constant 8192 : i32
        %add3A_68 = arith.addi %add3A_67, %mul3A_58 : i32
        %get3A_69 = arith.index_cast %add3A_68 : i32 to index
        %get3A_70 = tpu.vector_load %arg7[%get3A_69] {strides = array<i32>} : memref<12288xf32, #tpu.memory_space<vmem>>, vector<16xf32>,
        %sub3A_71 = arith.subf %get3A_70, %get3A_6 : vector<16xf32>
        %div3A_72 = arith.divf %sub3A_71, %get3A_12 : vector<16xf32>
        %ge3A = arith.constant 0.000000e+00 : f32
        %ge3A_73 = vector.broadcast %ge3A : f32 to vector<16xf32>
        %ge3A_74 = arith.cmpf oge, %div3A, %ge3A_73 : vector<16xf32>
        %le3A = arith.constant 1.000000e+00 : f32
        %le3A_75 = vector.broadcast %le3A : f32 to vector<16xf32>
        %le3A_76 = arith.cmpf ole, %div3A, %le3A_75 : vector<16xf32>
        %and3A = arith.andi %ge3A_74, %le3A_76 : vector<16xi1>
        %ge3A_77 = arith.constant 0.000000e+00 : f32
        %ge3A_78 = vector.broadcast %ge3A_77 : f32 to vector<16xf32>
        %ge3A_79 = arith.cmpf oge, %div3A_66, %ge3A_78 : vector<16xf32>
        %and3A_80 = arith.andi %and3A, %ge3A_79 : vector<16xi1>
        %le3A_81 = arith.constant 1.000000e+00 : f32
        %le3A_82 = vector.broadcast %le3A_81 : f32 to vector<16xf32>
        %le3A_83 = arith.cmpf ole, %div3A_66, %le3A_82 : vector<16xf32>
        %and3A_84 = arith.andi %and3A_80, %le3A_83 : vector<16xi1>
        %ge3A_85 = arith.constant 0.000000e+00 : f32
        %ge3A_86 = vector.broadcast %ge3A_85 : f32 to vector<16xf32>
        %ge3A_87 = arith.cmpf oge, %div3A_72, %ge3A_86 : vector<16xf32>
        %and3A_88 = arith.andi %and3A_84, %ge3A_87 : vector<16xi1>
        %le3A_89 = arith.constant 1.000000e+00 : f32
        %le3A_90 = vector.broadcast %le3A_89 : f32 to vector<16xf32>
        %le3A_91 = arith.cmpf ole, %div3A_72, %le3A_90 : vector<16xf32>
        %and3A_92 = arith.andi %and3A_88, %le3A_91 : vector<16xi1>
        %swap3A_93 = arith.index_cast %scan3A_56 : i32 to index
        %swap3A_94 = tpu.vector_load %arg8[%swap3A_93] masked %and3A_92 {strides = array<i32>} : memref<4112xf32, #tpu.memory_space<vmem>>, vector<16xf32>, vector<16xi1>
        tpu.vector_store %arg8[%swap3A_93], %div3A masked %and3A_92 {strides = array<i32>} : memref<4112xf32, #tpu.memory_space<vmem>>, vector<16xf32>, vector<16xi1>
        %swap3A_95 = arith.index_cast %scan3A_56 : i32 to index
        %swap3A_96 = tpu.vector_load %arg9[%swap3A_95] masked %and3A_92 {strides = array<i32>} : memref<4112xf32, #tpu.memory_space<vmem>>, vector<16xf32>, vector<16xi1>
        tpu.vector_store %arg9[%swap3A_95], %div3A_66 masked %and3A_92 {strides = array<i32>} : memref<4112xf32, #tpu.memory_space<vmem>>, vector<16xf32>, vector<16xi1>
        %swap3A_97 = arith.index_cast %scan3A_56 : i32 to index
        %swap3A_98 = tpu.vector_load %arg10[%swap3A_97] masked %and3A_92 {strides = array<i32>} : memref<4112xf32, #tpu.memory_space<vmem>>, vector<16xf32>, vector<16xi1>
        tpu.vector_store %arg10[%swap3A_97], %div3A_72 masked %and3A_92 {strides = array<i32>} : memref<4112xf32, #tpu.memory_space<vmem>>, vector<16xf32>, vector<16xi1>
        %add3A_99 = vector.broadcast %mul3A_58 : i32 to vector<16xi32>
        %add3A_100 = arith.addi %iota3A, %add3A_99 : vector<16xi32>
        %swap3A_101 = arith.index_cast %scan3A_56 : i32 to index
        %swap3A_102 = tpu.vector_load %arg11[%swap3A_101] masked %and3A_92 {strides = array<i32>} : memref<4112xi32, #tpu.memory_space<vmem>>, vector<16xi32>, vector<16xi1>
        tpu.vector_store %arg11[%swap3A_101], %add3A_100 masked %and3A_92 {strides = array<i32>} : memref<4112xi32, #tpu.memory_space<vmem>>, vector<16xi32>, vector<16xi1>
        %convert_element_type3A_103 = arith.extui %eq3A_0 : i1 to i32
        %cond3A_104 = arith.constant 0 : i32
        %cond3A_105 = arith.cmpi ne, %convert_element_type3A_103, %cond3A_104 : i32
        scf.if %cond3A_105 {
          %jit3A = arith.constant 1.000000e+00 : f32
          %jit3A_107 = arith.constant 0.000000e+00 : f32
          %broadcast_in_dim3A_108 = vector.broadcast %jit3A : f32 to vector<16xf32>
          %broadcast_in_dim3A_109 = vector.broadcast %jit3A_107 : f32 to vector<16xf32>
          %select_n3A = arith.select %and3A_92, %broadcast_in_dim3A_108, %broadcast_in_dim3A_109 : vector<16xi1>, vector<16xf32>
          %swap3A_110 = arith.index_cast %mul3A_58 : i32 to index
          %swap3A_111 = tpu.vector_load %arg13[%swap3A_110] {strides = array<i32>} : memref<4096xf32, #tpu.memory_space<vmem>>, vector<16xf32>,
          tpu.vector_store %arg13[%swap3A_110], %select_n3A {strides = array<i32>} : memref<4096xf32, #tpu.memory_space<vmem>>, vector<16xf32>,
        } else {
        }
        %all_reduce_population_count3A = tpu.all_reduce %and3A_92 {dim = 0 : i64, kind = #tpu.reduction_kind<sum>} : vector<16xi1> -> vector<16xi32>
        %slice3A = vector.extract_strided_slice %all_reduce_population_count3A {offsets = [0], sizes = [1], strides = [1]} : vector<16xi32> to vector<1xi32>
        %squeeze3A = vector.extract %slice3A[0] : i32 from vector<1xi32>
        %add3A_106 = arith.addi %scan3A_56, %squeeze3A : i32
        scf.yield %add3A_106 : i32
      }
      %scan3A_30 = arith.constant 256 : i32
      %add3A_31 = arith.constant 16384 : i32
      %add3A_32 = vector.broadcast %add3A_31 : i32 to vector<16xi32>
      %add3A_33 = arith.addi %iota3A, %add3A_32 : vector<16xi32>
      %swap3A = arith.index_cast %scan3A_29 : i32 to index
      %swap3A_34 = tpu.vector_load %arg11[%swap3A] {strides = array<i32>} : memref<4112xi32, #tpu.memory_space<vmem>>, vector<16xi32>,
      tpu.vector_store %arg11[%swap3A], %add3A_33 {strides = array<i32>} : memref<4112xi32, #tpu.memory_space<vmem>>, vector<16xi32>,
      %add3A_35 = arith.constant 15 : i32
      %add3A_36 = arith.addi %scan3A_29, %add3A_35 : i32
      %shift_right_logical3A = arith.constant 4 : i32
      %shift_right_logical3A_37 = arith.shrui %add3A_36, %shift_right_logical3A : i32
      %while3A = arith.constant 0 : i32
      %while3A_38 = arith.subi %shift_right_logical3A_37, %while3A : i32
      %while3A_39 = arith.addi %while3A, %while3A_38 : i32
      %while3A_40 = arith.constant 1 : i32
      %while3A_41 = arith.divsi %while3A_38, %while3A_40 : i32
      %while3A_42 = arith.muli %while3A_41, %while3A_40 : i32
      %while3A_43 = arith.addi %while3A, %while3A_42 : i32
      %while3A_44 = arith.constant 1 : i32
      scf.for %while3A_55 = %while3A to %while3A_43 step %while3A_44  : i32 {
        %mul3A_56 = arith.constant 16 : i32
        %mul3A_57 = arith.muli %while3A_55, %mul3A_56 : i32
        %get3A_58 = arith.index_cast %mul3A_57 : i32 to index
        %get3A_59 = tpu.vector_load %arg8[%get3A_58] {strides = array<i32>} : memref<4112xf32, #tpu.memory_space<vmem>>, vector<16xf32>,
        %get3A_60 = arith.index_cast %mul3A_57 : i32 to index
        %get3A_61 = tpu.vector_load %arg9[%get3A_60] {strides = array<i32>} : memref<4112xf32, #tpu.memory_space<vmem>>, vector<16xf32>,
        %get3A_62 = arith.index_cast %mul3A_57 : i32 to index
        %get3A_63 = tpu.vector_load %arg10[%get3A_62] {strides = array<i32>} : memref<4112xf32, #tpu.memory_space<vmem>>, vector<16xf32>,
        %get3A_64 = arith.index_cast %mul3A_57 : i32 to index
        %get3A_65 = tpu.vector_load %arg11[%get3A_64] {strides = array<i32>} : memref<4112xi32, #tpu.memory_space<vmem>>, vector<16xi32>,
        %mul3A_66 = arith.mulf %get3A_59, %convert_element_type3A : vector<16xf32>
        %mul3A_67 = arith.mulf %get3A_61, %convert_element_type3A : vector<16xf32>
        %mul3A_68 = arith.mulf %get3A_63, %convert_element_type3A : vector<16xf32>
        %convert_element_type3A_69 = arith.fptosi %mul3A_66 : vector<16xf32> to vector<16xi32>
        %convert_element_type3A_70 = arith.fptosi %mul3A_67 : vector<16xf32> to vector<16xi32>
        %convert_element_type3A_71 = arith.fptosi %mul3A_68 : vector<16xf32> to vector<16xi32>
        %convert_element_type3A_72 = arith.sitofp %convert_element_type3A_69 : vector<16xi32> to vector<16xf32>
        %sub3A = arith.subf %mul3A_66, %convert_element_type3A_72 : vector<16xf32>
        %convert_element_type3A_73 = arith.sitofp %convert_element_type3A_70 : vector<16xi32> to vector<16xf32>
        %sub3A_74 = arith.subf %mul3A_67, %convert_element_type3A_73 : vector<16xf32>
        %convert_element_type3A_75 = arith.sitofp %convert_element_type3A_71 : vector<16xi32> to vector<16xf32>
        %sub3A_76 = arith.subf %mul3A_68, %convert_element_type3A_75 : vector<16xf32>
        %sub3A_77 = arith.constant 1.000000e+00 : f32
        %sub3A_78 = vector.broadcast %sub3A_77 : f32 to vector<16xf32>
        %sub3A_79 = arith.subf %sub3A_78, %sub3A : vector<16xf32>
        %sub3A_80 = arith.constant 1.000000e+00 : f32
        %sub3A_81 = vector.broadcast %sub3A_80 : f32 to vector<16xf32>
        %sub3A_82 = arith.subf %sub3A_81, %sub3A_74 : vector<16xf32>
        %sub3A_83 = arith.constant 1.000000e+00 : f32
        %sub3A_84 = vector.broadcast %sub3A_83 : f32 to vector<16xf32>
        %sub3A_85 = arith.subf %sub3A_84, %sub3A_76 : vector<16xf32>
        %add3A_86 = arith.constant 1 : i32
        %add3A_87 = vector.broadcast %add3A_86 : i32 to vector<16xi32>
        %add3A_88 = arith.addi %convert_element_type3A_69, %add3A_87 : vector<16xi32>
        %mul3A_89 = arith.constant -1640531535 : i32
        %mul3A_90 = vector.broadcast %mul3A_89 : i32 to vector<16xi32>
        %mul3A_91 = arith.muli %convert_element_type3A_70, %mul3A_90 : vector<16xi32>
        %add3A_92 = arith.constant -1640531535 : i32
        %add3A_93 = vector.broadcast %add3A_92 : i32 to vector<16xi32>
        %add3A_94 = arith.addi %mul3A_91, %add3A_93 : vector<16xi32>
        %mul3A_95 = arith.constant 805459861 : i32
        %mul3A_96 = vector.broadcast %mul3A_95 : i32 to vector<16xi32>
        %mul3A_97 = arith.muli %convert_element_type3A_71, %mul3A_96 : vector<16xi32>
        %add3A_98 = arith.constant 805459861 : i32
        %add3A_99 = vector.broadcast %add3A_98 : i32 to vector<16xi32>
        %add3A_100 = arith.addi %mul3A_97, %add3A_99 : vector<16xi32>
        %mul3A_101 = arith.mulf %sub3A_79, %sub3A_82 : vector<16xf32>
        %mul3A_102 = arith.mulf %sub3A, %sub3A_82 : vector<16xf32>
        %mul3A_103 = arith.mulf %sub3A_79, %sub3A_74 : vector<16xf32>
        %mul3A_104 = arith.mulf %sub3A, %sub3A_74 : vector<16xf32>
        %broadcast_in_dim3A_105 = arith.constant 0.000000e+00 : f32
        %broadcast_in_dim3A_106 = vector.broadcast %broadcast_in_dim3A_105 : f32 to vector<16xf32>
        %broadcast_in_dim3A_107 = arith.constant 0.000000e+00 : f32
        %broadcast_in_dim3A_108 = vector.broadcast %broadcast_in_dim3A_107 : f32 to vector<16xf32>
        %broadcast_in_dim3A_109 = arith.constant 0.000000e+00 : f32
        %broadcast_in_dim3A_110 = vector.broadcast %broadcast_in_dim3A_109 : f32 to vector<16xf32>
        %broadcast_in_dim3A_111 = arith.constant 0.000000e+00 : f32
        %broadcast_in_dim3A_112 = vector.broadcast %broadcast_in_dim3A_111 : f32 to vector<16xf32>
        %xor3A = arith.xori %convert_element_type3A_69, %mul3A_91 : vector<16xi32>
        %xor3A_113 = arith.xori %xor3A, %mul3A_97 : vector<16xi32>
        %and3A = arith.constant 32767 : i32
        %and3A_114 = vector.broadcast %and3A : i32 to vector<16xi32>
        %and3A_115 = arith.andi %xor3A_113, %and3A_114 : vector<16xi32>
        %shift_left3A_116 = arith.constant 1 : i32
        %shift_left3A_117 = vector.broadcast %shift_left3A_116 : i32 to vector<16xi32>
        %shift_left3A_118 = arith.shli %and3A_115, %shift_left3A_117 : vector<16xi32>
        %gather3A = tpu.vector_load_idx %arg6[%shift_left3A_118] : memref<65536xi32, #tpu.memory_space<vmem>>[vector<16xi32>], vector<16xi32>,
        %or3A = arith.constant 1 : i32
        %or3A_119 = vector.broadcast %or3A : i32 to vector<16xi32>
        %or3A_120 = arith.ori %shift_left3A_118, %or3A_119 : vector<16xi32>
        %gather3A_121 = tpu.vector_load_idx %arg6[%or3A_120] : memref<65536xi32, #tpu.memory_space<vmem>>[vector<16xi32>], vector<16xi32>,
        %shift_left3A_122 = arith.constant 16 : i32
        %shift_left3A_123 = vector.broadcast %shift_left3A_122 : i32 to vector<16xi32>
        %shift_left3A_124 = arith.shli %gather3A, %shift_left3A_123 : vector<16xi32>
        %bitcast3A = vector.bitcast %shift_left3A_124 : vector<16xi32> to vector<16xf32>
        %and3A_125 = vector.broadcast %scan3A : i32 to vector<16xi32>
        %and3A_126 = arith.andi %gather3A, %and3A_125 : vector<16xi32>
        %bitcast3A_127 = vector.bitcast %and3A_126 : vector<16xi32> to vector<16xf32>
        %shift_left3A_128 = arith.constant 16 : i32
        %shift_left3A_129 = vector.broadcast %shift_left3A_128 : i32 to vector<16xi32>
        %shift_left3A_130 = arith.shli %gather3A_121, %shift_left3A_129 : vector<16xi32>
        %bitcast3A_131 = vector.bitcast %shift_left3A_130 : vector<16xi32> to vector<16xf32>
        %and3A_132 = vector.broadcast %scan3A : i32 to vector<16xi32>
        %and3A_133 = arith.andi %gather3A_121, %and3A_132 : vector<16xi32>
        %bitcast3A_134 = vector.bitcast %and3A_133 : vector<16xi32> to vector<16xf32>
        %mul3A_135 = arith.mulf %mul3A_101, %sub3A_85 : vector<16xf32>
        %mul3A_136 = arith.mulf %mul3A_135, %bitcast3A : vector<16xf32>
        %add3A_137 = arith.addf %broadcast_in_dim3A_106, %mul3A_136 : vector<16xf32>
        %mul3A_138 = arith.mulf %mul3A_135, %bitcast3A_127 : vector<16xf32>
        %add3A_139 = arith.addf %broadcast_in_dim3A_108, %mul3A_138 : vector<16xf32>
        %mul3A_140 = arith.mulf %mul3A_135, %bitcast3A_131 : vector<16xf32>
        %add3A_141 = arith.addf %broadcast_in_dim3A_110, %mul3A_140 : vector<16xf32>
        %mul3A_142 = arith.mulf %mul3A_135, %bitcast3A_134 : vector<16xf32>
        %add3A_143 = arith.addf %broadcast_in_dim3A_112, %mul3A_142 : vector<16xf32>
        %xor3A_144 = arith.xori %add3A_88, %mul3A_91 : vector<16xi32>
        %xor3A_145 = arith.xori %xor3A_144, %mul3A_97 : vector<16xi32>
        %and3A_146 = arith.constant 32767 : i32
        %and3A_147 = vector.broadcast %and3A_146 : i32 to vector<16xi32>
        %and3A_148 = arith.andi %xor3A_145, %and3A_147 : vector<16xi32>
        %shift_left3A_149 = arith.constant 1 : i32
        %shift_left3A_150 = vector.broadcast %shift_left3A_149 : i32 to vector<16xi32>
        %shift_left3A_151 = arith.shli %and3A_148, %shift_left3A_150 : vector<16xi32>
        %gather3A_152 = tpu.vector_load_idx %arg6[%shift_left3A_151] : memref<65536xi32, #tpu.memory_space<vmem>>[vector<16xi32>], vector<16xi32>,
        %or3A_153 = arith.constant 1 : i32
        %or3A_154 = vector.broadcast %or3A_153 : i32 to vector<16xi32>
        %or3A_155 = arith.ori %shift_left3A_151, %or3A_154 : vector<16xi32>
        %gather3A_156 = tpu.vector_load_idx %arg6[%or3A_155] : memref<65536xi32, #tpu.memory_space<vmem>>[vector<16xi32>], vector<16xi32>,
        %shift_left3A_157 = arith.constant 16 : i32
        %shift_left3A_158 = vector.broadcast %shift_left3A_157 : i32 to vector<16xi32>
        %shift_left3A_159 = arith.shli %gather3A_152, %shift_left3A_158 : vector<16xi32>
        %bitcast3A_160 = vector.bitcast %shift_left3A_159 : vector<16xi32> to vector<16xf32>
        %and3A_161 = vector.broadcast %scan3A : i32 to vector<16xi32>
        %and3A_162 = arith.andi %gather3A_152, %and3A_161 : vector<16xi32>
        %bitcast3A_163 = vector.bitcast %and3A_162 : vector<16xi32> to vector<16xf32>
        %shift_left3A_164 = arith.constant 16 : i32
        %shift_left3A_165 = vector.broadcast %shift_left3A_164 : i32 to vector<16xi32>
        %shift_left3A_166 = arith.shli %gather3A_156, %shift_left3A_165 : vector<16xi32>
        %bitcast3A_167 = vector.bitcast %shift_left3A_166 : vector<16xi32> to vector<16xf32>
        %and3A_168 = vector.broadcast %scan3A : i32 to vector<16xi32>
        %and3A_169 = arith.andi %gather3A_156, %and3A_168 : vector<16xi32>
        %bitcast3A_170 = vector.bitcast %and3A_169 : vector<16xi32> to vector<16xf32>
        %mul3A_171 = arith.mulf %mul3A_102, %sub3A_85 : vector<16xf32>
        %mul3A_172 = arith.mulf %mul3A_171, %bitcast3A_160 : vector<16xf32>
        %add3A_173 = arith.addf %add3A_137, %mul3A_172 : vector<16xf32>
        %mul3A_174 = arith.mulf %mul3A_171, %bitcast3A_163 : vector<16xf32>
        %add3A_175 = arith.addf %add3A_139, %mul3A_174 : vector<16xf32>
        %mul3A_176 = arith.mulf %mul3A_171, %bitcast3A_167 : vector<16xf32>
        %add3A_177 = arith.addf %add3A_141, %mul3A_176 : vector<16xf32>
        %mul3A_178 = arith.mulf %mul3A_171, %bitcast3A_170 : vector<16xf32>
        %add3A_179 = arith.addf %add3A_143, %mul3A_178 : vector<16xf32>
        %xor3A_180 = arith.xori %convert_element_type3A_69, %add3A_94 : vector<16xi32>
        %xor3A_181 = arith.xori %xor3A_180, %mul3A_97 : vector<16xi32>
        %and3A_182 = arith.constant 32767 : i32
        %and3A_183 = vector.broadcast %and3A_182 : i32 to vector<16xi32>
        %and3A_184 = arith.andi %xor3A_181, %and3A_183 : vector<16xi32>
        %shift_left3A_185 = arith.constant 1 : i32
        %shift_left3A_186 = vector.broadcast %shift_left3A_185 : i32 to vector<16xi32>
        %shift_left3A_187 = arith.shli %and3A_184, %shift_left3A_186 : vector<16xi32>
        %gather3A_188 = tpu.vector_load_idx %arg6[%shift_left3A_187] : memref<65536xi32, #tpu.memory_space<vmem>>[vector<16xi32>], vector<16xi32>,
        %or3A_189 = arith.constant 1 : i32
        %or3A_190 = vector.broadcast %or3A_189 : i32 to vector<16xi32>
        %or3A_191 = arith.ori %shift_left3A_187, %or3A_190 : vector<16xi32>
        %gather3A_192 = tpu.vector_load_idx %arg6[%or3A_191] : memref<65536xi32, #tpu.memory_space<vmem>>[vector<16xi32>], vector<16xi32>,
        %shift_left3A_193 = arith.constant 16 : i32
        %shift_left3A_194 = vector.broadcast %shift_left3A_193 : i32 to vector<16xi32>
        %shift_left3A_195 = arith.shli %gather3A_188, %shift_left3A_194 : vector<16xi32>
        %bitcast3A_196 = vector.bitcast %shift_left3A_195 : vector<16xi32> to vector<16xf32>
        %and3A_197 = vector.broadcast %scan3A : i32 to vector<16xi32>
        %and3A_198 = arith.andi %gather3A_188, %and3A_197 : vector<16xi32>
        %bitcast3A_199 = vector.bitcast %and3A_198 : vector<16xi32> to vector<16xf32>
        %shift_left3A_200 = arith.constant 16 : i32
        %shift_left3A_201 = vector.broadcast %shift_left3A_200 : i32 to vector<16xi32>
        %shift_left3A_202 = arith.shli %gather3A_192, %shift_left3A_201 : vector<16xi32>
        %bitcast3A_203 = vector.bitcast %shift_left3A_202 : vector<16xi32> to vector<16xf32>
        %and3A_204 = vector.broadcast %scan3A : i32 to vector<16xi32>
        %and3A_205 = arith.andi %gather3A_192, %and3A_204 : vector<16xi32>
        %bitcast3A_206 = vector.bitcast %and3A_205 : vector<16xi32> to vector<16xf32>
        %mul3A_207 = arith.mulf %mul3A_103, %sub3A_85 : vector<16xf32>
        %mul3A_208 = arith.mulf %mul3A_207, %bitcast3A_196 : vector<16xf32>
        %add3A_209 = arith.addf %add3A_173, %mul3A_208 : vector<16xf32>
        %mul3A_210 = arith.mulf %mul3A_207, %bitcast3A_199 : vector<16xf32>
        %add3A_211 = arith.addf %add3A_175, %mul3A_210 : vector<16xf32>
        %mul3A_212 = arith.mulf %mul3A_207, %bitcast3A_203 : vector<16xf32>
        %add3A_213 = arith.addf %add3A_177, %mul3A_212 : vector<16xf32>
        %mul3A_214 = arith.mulf %mul3A_207, %bitcast3A_206 : vector<16xf32>
        %add3A_215 = arith.addf %add3A_179, %mul3A_214 : vector<16xf32>
        %xor3A_216 = arith.xori %add3A_88, %add3A_94 : vector<16xi32>
        %xor3A_217 = arith.xori %xor3A_216, %mul3A_97 : vector<16xi32>
        %and3A_218 = arith.constant 32767 : i32
        %and3A_219 = vector.broadcast %and3A_218 : i32 to vector<16xi32>
        %and3A_220 = arith.andi %xor3A_217, %and3A_219 : vector<16xi32>
        %shift_left3A_221 = arith.constant 1 : i32
        %shift_left3A_222 = vector.broadcast %shift_left3A_221 : i32 to vector<16xi32>
        %shift_left3A_223 = arith.shli %and3A_220, %shift_left3A_222 : vector<16xi32>
        %gather3A_224 = tpu.vector_load_idx %arg6[%shift_left3A_223] : memref<65536xi32, #tpu.memory_space<vmem>>[vector<16xi32>], vector<16xi32>,
        %or3A_225 = arith.constant 1 : i32
        %or3A_226 = vector.broadcast %or3A_225 : i32 to vector<16xi32>
        %or3A_227 = arith.ori %shift_left3A_223, %or3A_226 : vector<16xi32>
        %gather3A_228 = tpu.vector_load_idx %arg6[%or3A_227] : memref<65536xi32, #tpu.memory_space<vmem>>[vector<16xi32>], vector<16xi32>,
        %shift_left3A_229 = arith.constant 16 : i32
        %shift_left3A_230 = vector.broadcast %shift_left3A_229 : i32 to vector<16xi32>
        %shift_left3A_231 = arith.shli %gather3A_224, %shift_left3A_230 : vector<16xi32>
        %bitcast3A_232 = vector.bitcast %shift_left3A_231 : vector<16xi32> to vector<16xf32>
        %and3A_233 = vector.broadcast %scan3A : i32 to vector<16xi32>
        %and3A_234 = arith.andi %gather3A_224, %and3A_233 : vector<16xi32>
        %bitcast3A_235 = vector.bitcast %and3A_234 : vector<16xi32> to vector<16xf32>
        %shift_left3A_236 = arith.constant 16 : i32
        %shift_left3A_237 = vector.broadcast %shift_left3A_236 : i32 to vector<16xi32>
        %shift_left3A_238 = arith.shli %gather3A_228, %shift_left3A_237 : vector<16xi32>
        %bitcast3A_239 = vector.bitcast %shift_left3A_238 : vector<16xi32> to vector<16xf32>
        %and3A_240 = vector.broadcast %scan3A : i32 to vector<16xi32>
        %and3A_241 = arith.andi %gather3A_228, %and3A_240 : vector<16xi32>
        %bitcast3A_242 = vector.bitcast %and3A_241 : vector<16xi32> to vector<16xf32>
        %mul3A_243 = arith.mulf %mul3A_104, %sub3A_85 : vector<16xf32>
        %mul3A_244 = arith.mulf %mul3A_243, %bitcast3A_232 : vector<16xf32>
        %add3A_245 = arith.addf %add3A_209, %mul3A_244 : vector<16xf32>
        %mul3A_246 = arith.mulf %mul3A_243, %bitcast3A_235 : vector<16xf32>
        %add3A_247 = arith.addf %add3A_211, %mul3A_246 : vector<16xf32>
        %mul3A_248 = arith.mulf %mul3A_243, %bitcast3A_239 : vector<16xf32>
        %add3A_249 = arith.addf %add3A_213, %mul3A_248 : vector<16xf32>
        %mul3A_250 = arith.mulf %mul3A_243, %bitcast3A_242 : vector<16xf32>
        %add3A_251 = arith.addf %add3A_215, %mul3A_250 : vector<16xf32>
        %xor3A_252 = arith.xori %convert_element_type3A_69, %mul3A_91 : vector<16xi32>
        %xor3A_253 = arith.xori %xor3A_252, %add3A_100 : vector<16xi32>
        %and3A_254 = arith.constant 32767 : i32
        %and3A_255 = vector.broadcast %and3A_254 : i32 to vector<16xi32>
        %and3A_256 = arith.andi %xor3A_253, %and3A_255 : vector<16xi32>
        %shift_left3A_257 = arith.constant 1 : i32
        %shift_left3A_258 = vector.broadcast %shift_left3A_257 : i32 to vector<16xi32>
        %shift_left3A_259 = arith.shli %and3A_256, %shift_left3A_258 : vector<16xi32>
        %gather3A_260 = tpu.vector_load_idx %arg6[%shift_left3A_259] : memref<65536xi32, #tpu.memory_space<vmem>>[vector<16xi32>], vector<16xi32>,
        %or3A_261 = arith.constant 1 : i32
        %or3A_262 = vector.broadcast %or3A_261 : i32 to vector<16xi32>
        %or3A_263 = arith.ori %shift_left3A_259, %or3A_262 : vector<16xi32>
        %gather3A_264 = tpu.vector_load_idx %arg6[%or3A_263] : memref<65536xi32, #tpu.memory_space<vmem>>[vector<16xi32>], vector<16xi32>,
        %shift_left3A_265 = arith.constant 16 : i32
        %shift_left3A_266 = vector.broadcast %shift_left3A_265 : i32 to vector<16xi32>
        %shift_left3A_267 = arith.shli %gather3A_260, %shift_left3A_266 : vector<16xi32>
        %bitcast3A_268 = vector.bitcast %shift_left3A_267 : vector<16xi32> to vector<16xf32>
        %and3A_269 = vector.broadcast %scan3A : i32 to vector<16xi32>
        %and3A_270 = arith.andi %gather3A_260, %and3A_269 : vector<16xi32>
        %bitcast3A_271 = vector.bitcast %and3A_270 : vector<16xi32> to vector<16xf32>
        %shift_left3A_272 = arith.constant 16 : i32
        %shift_left3A_273 = vector.broadcast %shift_left3A_272 : i32 to vector<16xi32>
        %shift_left3A_274 = arith.shli %gather3A_264, %shift_left3A_273 : vector<16xi32>
        %bitcast3A_275 = vector.bitcast %shift_left3A_274 : vector<16xi32> to vector<16xf32>
        %and3A_276 = vector.broadcast %scan3A : i32 to vector<16xi32>
        %and3A_277 = arith.andi %gather3A_264, %and3A_276 : vector<16xi32>
        %bitcast3A_278 = vector.bitcast %and3A_277 : vector<16xi32> to vector<16xf32>
        %mul3A_279 = arith.mulf %mul3A_101, %sub3A_76 : vector<16xf32>
        %mul3A_280 = arith.mulf %mul3A_279, %bitcast3A_268 : vector<16xf32>
        %add3A_281 = arith.addf %add3A_245, %mul3A_280 : vector<16xf32>
        %mul3A_282 = arith.mulf %mul3A_279, %bitcast3A_271 : vector<16xf32>
        %add3A_283 = arith.addf %add3A_247, %mul3A_282 : vector<16xf32>
        %mul3A_284 = arith.mulf %mul3A_279, %bitcast3A_275 : vector<16xf32>
        %add3A_285 = arith.addf %add3A_249, %mul3A_284 : vector<16xf32>
        %mul3A_286 = arith.mulf %mul3A_279, %bitcast3A_278 : vector<16xf32>
        %add3A_287 = arith.addf %add3A_251, %mul3A_286 : vector<16xf32>
        %xor3A_288 = arith.xori %add3A_88, %mul3A_91 : vector<16xi32>
        %xor3A_289 = arith.xori %xor3A_288, %add3A_100 : vector<16xi32>
        %and3A_290 = arith.constant 32767 : i32
        %and3A_291 = vector.broadcast %and3A_290 : i32 to vector<16xi32>
        %and3A_292 = arith.andi %xor3A_289, %and3A_291 : vector<16xi32>
        %shift_left3A_293 = arith.constant 1 : i32
        %shift_left3A_294 = vector.broadcast %shift_left3A_293 : i32 to vector<16xi32>
        %shift_left3A_295 = arith.shli %and3A_292, %shift_left3A_294 : vector<16xi32>
        %gather3A_296 = tpu.vector_load_idx %arg6[%shift_left3A_295] : memref<65536xi32, #tpu.memory_space<vmem>>[vector<16xi32>], vector<16xi32>,
        %or3A_297 = arith.constant 1 : i32
        %or3A_298 = vector.broadcast %or3A_297 : i32 to vector<16xi32>
        %or3A_299 = arith.ori %shift_left3A_295, %or3A_298 : vector<16xi32>
        %gather3A_300 = tpu.vector_load_idx %arg6[%or3A_299] : memref<65536xi32, #tpu.memory_space<vmem>>[vector<16xi32>], vector<16xi32>,
        %shift_left3A_301 = arith.constant 16 : i32
        %shift_left3A_302 = vector.broadcast %shift_left3A_301 : i32 to vector<16xi32>
        %shift_left3A_303 = arith.shli %gather3A_296, %shift_left3A_302 : vector<16xi32>
        %bitcast3A_304 = vector.bitcast %shift_left3A_303 : vector<16xi32> to vector<16xf32>
        %and3A_305 = vector.broadcast %scan3A : i32 to vector<16xi32>
        %and3A_306 = arith.andi %gather3A_296, %and3A_305 : vector<16xi32>
        %bitcast3A_307 = vector.bitcast %and3A_306 : vector<16xi32> to vector<16xf32>
        %shift_left3A_308 = arith.constant 16 : i32
        %shift_left3A_309 = vector.broadcast %shift_left3A_308 : i32 to vector<16xi32>
        %shift_left3A_310 = arith.shli %gather3A_300, %shift_left3A_309 : vector<16xi32>
        %bitcast3A_311 = vector.bitcast %shift_left3A_310 : vector<16xi32> to vector<16xf32>
        %and3A_312 = vector.broadcast %scan3A : i32 to vector<16xi32>
        %and3A_313 = arith.andi %gather3A_300, %and3A_312 : vector<16xi32>
        %bitcast3A_314 = vector.bitcast %and3A_313 : vector<16xi32> to vector<16xf32>
        %mul3A_315 = arith.mulf %mul3A_102, %sub3A_76 : vector<16xf32>
        %mul3A_316 = arith.mulf %mul3A_315, %bitcast3A_304 : vector<16xf32>
        %add3A_317 = arith.addf %add3A_281, %mul3A_316 : vector<16xf32>
        %mul3A_318 = arith.mulf %mul3A_315, %bitcast3A_307 : vector<16xf32>
        %add3A_319 = arith.addf %add3A_283, %mul3A_318 : vector<16xf32>
        %mul3A_320 = arith.mulf %mul3A_315, %bitcast3A_311 : vector<16xf32>
        %add3A_321 = arith.addf %add3A_285, %mul3A_320 : vector<16xf32>
        %mul3A_322 = arith.mulf %mul3A_315, %bitcast3A_314 : vector<16xf32>
        %add3A_323 = arith.addf %add3A_287, %mul3A_322 : vector<16xf32>
        %xor3A_324 = arith.xori %convert_element_type3A_69, %add3A_94 : vector<16xi32>
        %xor3A_325 = arith.xori %xor3A_324, %add3A_100 : vector<16xi32>
        %and3A_326 = arith.constant 32767 : i32
        %and3A_327 = vector.broadcast %and3A_326 : i32 to vector<16xi32>
        %and3A_328 = arith.andi %xor3A_325, %and3A_327 : vector<16xi32>
        %shift_left3A_329 = arith.constant 1 : i32
        %shift_left3A_330 = vector.broadcast %shift_left3A_329 : i32 to vector<16xi32>
        %shift_left3A_331 = arith.shli %and3A_328, %shift_left3A_330 : vector<16xi32>
        %gather3A_332 = tpu.vector_load_idx %arg6[%shift_left3A_331] : memref<65536xi32, #tpu.memory_space<vmem>>[vector<16xi32>], vector<16xi32>,
        %or3A_333 = arith.constant 1 : i32
        %or3A_334 = vector.broadcast %or3A_333 : i32 to vector<16xi32>
        %or3A_335 = arith.ori %shift_left3A_331, %or3A_334 : vector<16xi32>
        %gather3A_336 = tpu.vector_load_idx %arg6[%or3A_335] : memref<65536xi32, #tpu.memory_space<vmem>>[vector<16xi32>], vector<16xi32>,
        %shift_left3A_337 = arith.constant 16 : i32
        %shift_left3A_338 = vector.broadcast %shift_left3A_337 : i32 to vector<16xi32>
        %shift_left3A_339 = arith.shli %gather3A_332, %shift_left3A_338 : vector<16xi32>
        %bitcast3A_340 = vector.bitcast %shift_left3A_339 : vector<16xi32> to vector<16xf32>
        %and3A_341 = vector.broadcast %scan3A : i32 to vector<16xi32>
        %and3A_342 = arith.andi %gather3A_332, %and3A_341 : vector<16xi32>
        %bitcast3A_343 = vector.bitcast %and3A_342 : vector<16xi32> to vector<16xf32>
        %shift_left3A_344 = arith.constant 16 : i32
        %shift_left3A_345 = vector.broadcast %shift_left3A_344 : i32 to vector<16xi32>
        %shift_left3A_346 = arith.shli %gather3A_336, %shift_left3A_345 : vector<16xi32>
        %bitcast3A_347 = vector.bitcast %shift_left3A_346 : vector<16xi32> to vector<16xf32>
        %and3A_348 = vector.broadcast %scan3A : i32 to vector<16xi32>
        %and3A_349 = arith.andi %gather3A_336, %and3A_348 : vector<16xi32>
        %bitcast3A_350 = vector.bitcast %and3A_349 : vector<16xi32> to vector<16xf32>
        %mul3A_351 = arith.mulf %mul3A_103, %sub3A_76 : vector<16xf32>
        %mul3A_352 = arith.mulf %mul3A_351, %bitcast3A_340 : vector<16xf32>
        %add3A_353 = arith.addf %add3A_317, %mul3A_352 : vector<16xf32>
        %mul3A_354 = arith.mulf %mul3A_351, %bitcast3A_343 : vector<16xf32>
        %add3A_355 = arith.addf %add3A_319, %mul3A_354 : vector<16xf32>
        %mul3A_356 = arith.mulf %mul3A_351, %bitcast3A_347 : vector<16xf32>
        %add3A_357 = arith.addf %add3A_321, %mul3A_356 : vector<16xf32>
        %mul3A_358 = arith.mulf %mul3A_351, %bitcast3A_350 : vector<16xf32>
        %add3A_359 = arith.addf %add3A_323, %mul3A_358 : vector<16xf32>
        %xor3A_360 = arith.xori %add3A_88, %add3A_94 : vector<16xi32>
        %xor3A_361 = arith.xori %xor3A_360, %add3A_100 : vector<16xi32>
        %and3A_362 = arith.constant 32767 : i32
        %and3A_363 = vector.broadcast %and3A_362 : i32 to vector<16xi32>
        %and3A_364 = arith.andi %xor3A_361, %and3A_363 : vector<16xi32>
        %shift_left3A_365 = arith.constant 1 : i32
        %shift_left3A_366 = vector.broadcast %shift_left3A_365 : i32 to vector<16xi32>
        %shift_left3A_367 = arith.shli %and3A_364, %shift_left3A_366 : vector<16xi32>
        %gather3A_368 = tpu.vector_load_idx %arg6[%shift_left3A_367] : memref<65536xi32, #tpu.memory_space<vmem>>[vector<16xi32>], vector<16xi32>,
        %or3A_369 = arith.constant 1 : i32
        %or3A_370 = vector.broadcast %or3A_369 : i32 to vector<16xi32>
        %or3A_371 = arith.ori %shift_left3A_367, %or3A_370 : vector<16xi32>
        %gather3A_372 = tpu.vector_load_idx %arg6[%or3A_371] : memref<65536xi32, #tpu.memory_space<vmem>>[vector<16xi32>], vector<16xi32>,
        %shift_left3A_373 = arith.constant 16 : i32
        %shift_left3A_374 = vector.broadcast %shift_left3A_373 : i32 to vector<16xi32>
        %shift_left3A_375 = arith.shli %gather3A_368, %shift_left3A_374 : vector<16xi32>
        %bitcast3A_376 = vector.bitcast %shift_left3A_375 : vector<16xi32> to vector<16xf32>
        %and3A_377 = vector.broadcast %scan3A : i32 to vector<16xi32>
        %and3A_378 = arith.andi %gather3A_368, %and3A_377 : vector<16xi32>
        %bitcast3A_379 = vector.bitcast %and3A_378 : vector<16xi32> to vector<16xf32>
        %shift_left3A_380 = arith.constant 16 : i32
        %shift_left3A_381 = vector.broadcast %shift_left3A_380 : i32 to vector<16xi32>
        %shift_left3A_382 = arith.shli %gather3A_372, %shift_left3A_381 : vector<16xi32>
        %bitcast3A_383 = vector.bitcast %shift_left3A_382 : vector<16xi32> to vector<16xf32>
        %and3A_384 = vector.broadcast %scan3A : i32 to vector<16xi32>
        %and3A_385 = arith.andi %gather3A_372, %and3A_384 : vector<16xi32>
        %bitcast3A_386 = vector.bitcast %and3A_385 : vector<16xi32> to vector<16xf32>
        %mul3A_387 = arith.mulf %mul3A_104, %sub3A_76 : vector<16xf32>
        %mul3A_388 = arith.mulf %mul3A_387, %bitcast3A_376 : vector<16xf32>
        %add3A_389 = arith.addf %add3A_353, %mul3A_388 : vector<16xf32>
        %mul3A_390 = arith.mulf %mul3A_387, %bitcast3A_379 : vector<16xf32>
        %add3A_391 = arith.addf %add3A_355, %mul3A_390 : vector<16xf32>
        %mul3A_392 = arith.mulf %mul3A_387, %bitcast3A_383 : vector<16xf32>
        %add3A_393 = arith.addf %add3A_357, %mul3A_392 : vector<16xf32>
        %mul3A_394 = arith.mulf %mul3A_387, %bitcast3A_386 : vector<16xf32>
        %add3A_395 = arith.addf %add3A_359, %mul3A_394 : vector<16xf32>
        tpu.vector_store_idx %arg12[%get3A_65], %add3A_389 : memref<28688xf32, #tpu.memory_space<vmem>>[vector<16xi32>], vector<16xf32>,
        %add3A_396 = arith.constant 4096 : i32
        %add3A_397 = vector.broadcast %add3A_396 : i32 to vector<16xi32>
        %add3A_398 = arith.addi %get3A_65, %add3A_397 : vector<16xi32>
        tpu.vector_store_idx %arg12[%add3A_398], %add3A_391 : memref<28688xf32, #tpu.memory_space<vmem>>[vector<16xi32>], vector<16xf32>,
        %add3A_399 = arith.constant 8192 : i32
        %add3A_400 = vector.broadcast %add3A_399 : i32 to vector<16xi32>
        %add3A_401 = arith.addi %get3A_65, %add3A_400 : vector<16xi32>
        tpu.vector_store_idx %arg12[%add3A_401], %add3A_393 : memref<28688xf32, #tpu.memory_space<vmem>>[vector<16xi32>], vector<16xf32>,
        %add3A_402 = arith.constant 12288 : i32
        %add3A_403 = vector.broadcast %add3A_402 : i32 to vector<16xi32>
        %add3A_404 = arith.addi %get3A_65, %add3A_403 : vector<16xi32>
        tpu.vector_store_idx %arg12[%add3A_404], %add3A_395 : memref<28688xf32, #tpu.memory_space<vmem>>[vector<16xi32>], vector<16xf32>,
      }
      %while3A_45 = arith.constant 1 : i32
      scf.for %while3A_55 = %while3A_43 to %while3A_39 step %while3A_45  : i32 {
        %mul3A_56 = arith.constant 16 : i32
        %mul3A_57 = arith.muli %while3A_55, %mul3A_56 : i32
        %get3A_58 = arith.index_cast %mul3A_57 : i32 to index
        %get3A_59 = tpu.vector_load %arg8[%get3A_58] {strides = array<i32>} : memref<4112xf32, #tpu.memory_space<vmem>>, vector<16xf32>,
        %get3A_60 = arith.index_cast %mul3A_57 : i32 to index
        %get3A_61 = tpu.vector_load %arg9[%get3A_60] {strides = array<i32>} : memref<4112xf32, #tpu.memory_space<vmem>>, vector<16xf32>,
        %get3A_62 = arith.index_cast %mul3A_57 : i32 to index
        %get3A_63 = tpu.vector_load %arg10[%get3A_62] {strides = array<i32>} : memref<4112xf32, #tpu.memory_space<vmem>>, vector<16xf32>,
        %get3A_64 = arith.index_cast %mul3A_57 : i32 to index
        %get3A_65 = tpu.vector_load %arg11[%get3A_64] {strides = array<i32>} : memref<4112xi32, #tpu.memory_space<vmem>>, vector<16xi32>,
        %mul3A_66 = arith.mulf %get3A_59, %convert_element_type3A : vector<16xf32>
        %mul3A_67 = arith.mulf %get3A_61, %convert_element_type3A : vector<16xf32>
        %mul3A_68 = arith.mulf %get3A_63, %convert_element_type3A : vector<16xf32>
        %convert_element_type3A_69 = arith.fptosi %mul3A_66 : vector<16xf32> to vector<16xi32>
        %convert_element_type3A_70 = arith.fptosi %mul3A_67 : vector<16xf32> to vector<16xi32>
        %convert_element_type3A_71 = arith.fptosi %mul3A_68 : vector<16xf32> to vector<16xi32>
        %convert_element_type3A_72 = arith.sitofp %convert_element_type3A_69 : vector<16xi32> to vector<16xf32>
        %sub3A = arith.subf %mul3A_66, %convert_element_type3A_72 : vector<16xf32>
        %convert_element_type3A_73 = arith.sitofp %convert_element_type3A_70 : vector<16xi32> to vector<16xf32>
        %sub3A_74 = arith.subf %mul3A_67, %convert_element_type3A_73 : vector<16xf32>
        %convert_element_type3A_75 = arith.sitofp %convert_element_type3A_71 : vector<16xi32> to vector<16xf32>
        %sub3A_76 = arith.subf %mul3A_68, %convert_element_type3A_75 : vector<16xf32>
        %sub3A_77 = arith.constant 1.000000e+00 : f32
        %sub3A_78 = vector.broadcast %sub3A_77 : f32 to vector<16xf32>
        %sub3A_79 = arith.subf %sub3A_78, %sub3A : vector<16xf32>
        %sub3A_80 = arith.constant 1.000000e+00 : f32
        %sub3A_81 = vector.broadcast %sub3A_80 : f32 to vector<16xf32>
        %sub3A_82 = arith.subf %sub3A_81, %sub3A_74 : vector<16xf32>
        %sub3A_83 = arith.constant 1.000000e+00 : f32
        %sub3A_84 = vector.broadcast %sub3A_83 : f32 to vector<16xf32>
        %sub3A_85 = arith.subf %sub3A_84, %sub3A_76 : vector<16xf32>
        %add3A_86 = arith.constant 1 : i32
        %add3A_87 = vector.broadcast %add3A_86 : i32 to vector<16xi32>
        %add3A_88 = arith.addi %convert_element_type3A_69, %add3A_87 : vector<16xi32>
        %mul3A_89 = arith.constant -1640531535 : i32
        %mul3A_90 = vector.broadcast %mul3A_89 : i32 to vector<16xi32>
        %mul3A_91 = arith.muli %convert_element_type3A_70, %mul3A_90 : vector<16xi32>
        %add3A_92 = arith.constant -1640531535 : i32
        %add3A_93 = vector.broadcast %add3A_92 : i32 to vector<16xi32>
        %add3A_94 = arith.addi %mul3A_91, %add3A_93 : vector<16xi32>
        %mul3A_95 = arith.constant 805459861 : i32
        %mul3A_96 = vector.broadcast %mul3A_95 : i32 to vector<16xi32>
        %mul3A_97 = arith.muli %convert_element_type3A_71, %mul3A_96 : vector<16xi32>
        %add3A_98 = arith.constant 805459861 : i32
        %add3A_99 = vector.broadcast %add3A_98 : i32 to vector<16xi32>
        %add3A_100 = arith.addi %mul3A_97, %add3A_99 : vector<16xi32>
        %mul3A_101 = arith.mulf %sub3A_79, %sub3A_82 : vector<16xf32>
        %mul3A_102 = arith.mulf %sub3A, %sub3A_82 : vector<16xf32>
        %mul3A_103 = arith.mulf %sub3A_79, %sub3A_74 : vector<16xf32>
        %mul3A_104 = arith.mulf %sub3A, %sub3A_74 : vector<16xf32>
        %broadcast_in_dim3A_105 = arith.constant 0.000000e+00 : f32
        %broadcast_in_dim3A_106 = vector.broadcast %broadcast_in_dim3A_105 : f32 to vector<16xf32>
        %broadcast_in_dim3A_107 = arith.constant 0.000000e+00 : f32
        %broadcast_in_dim3A_108 = vector.broadcast %broadcast_in_dim3A_107 : f32 to vector<16xf32>
        %broadcast_in_dim3A_109 = arith.constant 0.000000e+00 : f32
        %broadcast_in_dim3A_110 = vector.broadcast %broadcast_in_dim3A_109 : f32 to vector<16xf32>
        %broadcast_in_dim3A_111 = arith.constant 0.000000e+00 : f32
        %broadcast_in_dim3A_112 = vector.broadcast %broadcast_in_dim3A_111 : f32 to vector<16xf32>
        %xor3A = arith.xori %convert_element_type3A_69, %mul3A_91 : vector<16xi32>
        %xor3A_113 = arith.xori %xor3A, %mul3A_97 : vector<16xi32>
        %and3A = arith.constant 32767 : i32
        %and3A_114 = vector.broadcast %and3A : i32 to vector<16xi32>
        %and3A_115 = arith.andi %xor3A_113, %and3A_114 : vector<16xi32>
        %shift_left3A_116 = arith.constant 1 : i32
        %shift_left3A_117 = vector.broadcast %shift_left3A_116 : i32 to vector<16xi32>
        %shift_left3A_118 = arith.shli %and3A_115, %shift_left3A_117 : vector<16xi32>
        %gather3A = tpu.vector_load_idx %arg6[%shift_left3A_118] : memref<65536xi32, #tpu.memory_space<vmem>>[vector<16xi32>], vector<16xi32>,
        %or3A = arith.constant 1 : i32
        %or3A_119 = vector.broadcast %or3A : i32 to vector<16xi32>
        %or3A_120 = arith.ori %shift_left3A_118, %or3A_119 : vector<16xi32>
        %gather3A_121 = tpu.vector_load_idx %arg6[%or3A_120] : memref<65536xi32, #tpu.memory_space<vmem>>[vector<16xi32>], vector<16xi32>,
        %shift_left3A_122 = arith.constant 16 : i32
        %shift_left3A_123 = vector.broadcast %shift_left3A_122 : i32 to vector<16xi32>
        %shift_left3A_124 = arith.shli %gather3A, %shift_left3A_123 : vector<16xi32>
        %bitcast3A = vector.bitcast %shift_left3A_124 : vector<16xi32> to vector<16xf32>
        %and3A_125 = vector.broadcast %scan3A : i32 to vector<16xi32>
        %and3A_126 = arith.andi %gather3A, %and3A_125 : vector<16xi32>
        %bitcast3A_127 = vector.bitcast %and3A_126 : vector<16xi32> to vector<16xf32>
        %shift_left3A_128 = arith.constant 16 : i32
        %shift_left3A_129 = vector.broadcast %shift_left3A_128 : i32 to vector<16xi32>
        %shift_left3A_130 = arith.shli %gather3A_121, %shift_left3A_129 : vector<16xi32>
        %bitcast3A_131 = vector.bitcast %shift_left3A_130 : vector<16xi32> to vector<16xf32>
        %and3A_132 = vector.broadcast %scan3A : i32 to vector<16xi32>
        %and3A_133 = arith.andi %gather3A_121, %and3A_132 : vector<16xi32>
        %bitcast3A_134 = vector.bitcast %and3A_133 : vector<16xi32> to vector<16xf32>
        %mul3A_135 = arith.mulf %mul3A_101, %sub3A_85 : vector<16xf32>
        %mul3A_136 = arith.mulf %mul3A_135, %bitcast3A : vector<16xf32>
        %add3A_137 = arith.addf %broadcast_in_dim3A_106, %mul3A_136 : vector<16xf32>
        %mul3A_138 = arith.mulf %mul3A_135, %bitcast3A_127 : vector<16xf32>
        %add3A_139 = arith.addf %broadcast_in_dim3A_108, %mul3A_138 : vector<16xf32>
        %mul3A_140 = arith.mulf %mul3A_135, %bitcast3A_131 : vector<16xf32>
        %add3A_141 = arith.addf %broadcast_in_dim3A_110, %mul3A_140 : vector<16xf32>
        %mul3A_142 = arith.mulf %mul3A_135, %bitcast3A_134 : vector<16xf32>
        %add3A_143 = arith.addf %broadcast_in_dim3A_112, %mul3A_142 : vector<16xf32>
        %xor3A_144 = arith.xori %add3A_88, %mul3A_91 : vector<16xi32>
        %xor3A_145 = arith.xori %xor3A_144, %mul3A_97 : vector<16xi32>
        %and3A_146 = arith.constant 32767 : i32
        %and3A_147 = vector.broadcast %and3A_146 : i32 to vector<16xi32>
        %and3A_148 = arith.andi %xor3A_145, %and3A_147 : vector<16xi32>
        %shift_left3A_149 = arith.constant 1 : i32
        %shift_left3A_150 = vector.broadcast %shift_left3A_149 : i32 to vector<16xi32>
        %shift_left3A_151 = arith.shli %and3A_148, %shift_left3A_150 : vector<16xi32>
        %gather3A_152 = tpu.vector_load_idx %arg6[%shift_left3A_151] : memref<65536xi32, #tpu.memory_space<vmem>>[vector<16xi32>], vector<16xi32>,
        %or3A_153 = arith.constant 1 : i32
        %or3A_154 = vector.broadcast %or3A_153 : i32 to vector<16xi32>
        %or3A_155 = arith.ori %shift_left3A_151, %or3A_154 : vector<16xi32>
        %gather3A_156 = tpu.vector_load_idx %arg6[%or3A_155] : memref<65536xi32, #tpu.memory_space<vmem>>[vector<16xi32>], vector<16xi32>,
        %shift_left3A_157 = arith.constant 16 : i32
        %shift_left3A_158 = vector.broadcast %shift_left3A_157 : i32 to vector<16xi32>
        %shift_left3A_159 = arith.shli %gather3A_152, %shift_left3A_158 : vector<16xi32>
        %bitcast3A_160 = vector.bitcast %shift_left3A_159 : vector<16xi32> to vector<16xf32>
        %and3A_161 = vector.broadcast %scan3A : i32 to vector<16xi32>
        %and3A_162 = arith.andi %gather3A_152, %and3A_161 : vector<16xi32>
        %bitcast3A_163 = vector.bitcast %and3A_162 : vector<16xi32> to vector<16xf32>
        %shift_left3A_164 = arith.constant 16 : i32
        %shift_left3A_165 = vector.broadcast %shift_left3A_164 : i32 to vector<16xi32>
        %shift_left3A_166 = arith.shli %gather3A_156, %shift_left3A_165 : vector<16xi32>
        %bitcast3A_167 = vector.bitcast %shift_left3A_166 : vector<16xi32> to vector<16xf32>
        %and3A_168 = vector.broadcast %scan3A : i32 to vector<16xi32>
        %and3A_169 = arith.andi %gather3A_156, %and3A_168 : vector<16xi32>
        %bitcast3A_170 = vector.bitcast %and3A_169 : vector<16xi32> to vector<16xf32>
        %mul3A_171 = arith.mulf %mul3A_102, %sub3A_85 : vector<16xf32>
        %mul3A_172 = arith.mulf %mul3A_171, %bitcast3A_160 : vector<16xf32>
        %add3A_173 = arith.addf %add3A_137, %mul3A_172 : vector<16xf32>
        %mul3A_174 = arith.mulf %mul3A_171, %bitcast3A_163 : vector<16xf32>
        %add3A_175 = arith.addf %add3A_139, %mul3A_174 : vector<16xf32>
        %mul3A_176 = arith.mulf %mul3A_171, %bitcast3A_167 : vector<16xf32>
        %add3A_177 = arith.addf %add3A_141, %mul3A_176 : vector<16xf32>
        %mul3A_178 = arith.mulf %mul3A_171, %bitcast3A_170 : vector<16xf32>
        %add3A_179 = arith.addf %add3A_143, %mul3A_178 : vector<16xf32>
        %xor3A_180 = arith.xori %convert_element_type3A_69, %add3A_94 : vector<16xi32>
        %xor3A_181 = arith.xori %xor3A_180, %mul3A_97 : vector<16xi32>
        %and3A_182 = arith.constant 32767 : i32
        %and3A_183 = vector.broadcast %and3A_182 : i32 to vector<16xi32>
        %and3A_184 = arith.andi %xor3A_181, %and3A_183 : vector<16xi32>
        %shift_left3A_185 = arith.constant 1 : i32
        %shift_left3A_186 = vector.broadcast %shift_left3A_185 : i32 to vector<16xi32>
        %shift_left3A_187 = arith.shli %and3A_184, %shift_left3A_186 : vector<16xi32>
        %gather3A_188 = tpu.vector_load_idx %arg6[%shift_left3A_187] : memref<65536xi32, #tpu.memory_space<vmem>>[vector<16xi32>], vector<16xi32>,
        %or3A_189 = arith.constant 1 : i32
        %or3A_190 = vector.broadcast %or3A_189 : i32 to vector<16xi32>
        %or3A_191 = arith.ori %shift_left3A_187, %or3A_190 : vector<16xi32>
        %gather3A_192 = tpu.vector_load_idx %arg6[%or3A_191] : memref<65536xi32, #tpu.memory_space<vmem>>[vector<16xi32>], vector<16xi32>,
        %shift_left3A_193 = arith.constant 16 : i32
        %shift_left3A_194 = vector.broadcast %shift_left3A_193 : i32 to vector<16xi32>
        %shift_left3A_195 = arith.shli %gather3A_188, %shift_left3A_194 : vector<16xi32>
        %bitcast3A_196 = vector.bitcast %shift_left3A_195 : vector<16xi32> to vector<16xf32>
        %and3A_197 = vector.broadcast %scan3A : i32 to vector<16xi32>
        %and3A_198 = arith.andi %gather3A_188, %and3A_197 : vector<16xi32>
        %bitcast3A_199 = vector.bitcast %and3A_198 : vector<16xi32> to vector<16xf32>
        %shift_left3A_200 = arith.constant 16 : i32
        %shift_left3A_201 = vector.broadcast %shift_left3A_200 : i32 to vector<16xi32>
        %shift_left3A_202 = arith.shli %gather3A_192, %shift_left3A_201 : vector<16xi32>
        %bitcast3A_203 = vector.bitcast %shift_left3A_202 : vector<16xi32> to vector<16xf32>
        %and3A_204 = vector.broadcast %scan3A : i32 to vector<16xi32>
        %and3A_205 = arith.andi %gather3A_192, %and3A_204 : vector<16xi32>
        %bitcast3A_206 = vector.bitcast %and3A_205 : vector<16xi32> to vector<16xf32>
        %mul3A_207 = arith.mulf %mul3A_103, %sub3A_85 : vector<16xf32>
        %mul3A_208 = arith.mulf %mul3A_207, %bitcast3A_196 : vector<16xf32>
        %add3A_209 = arith.addf %add3A_173, %mul3A_208 : vector<16xf32>
        %mul3A_210 = arith.mulf %mul3A_207, %bitcast3A_199 : vector<16xf32>
        %add3A_211 = arith.addf %add3A_175, %mul3A_210 : vector<16xf32>
        %mul3A_212 = arith.mulf %mul3A_207, %bitcast3A_203 : vector<16xf32>
        %add3A_213 = arith.addf %add3A_177, %mul3A_212 : vector<16xf32>
        %mul3A_214 = arith.mulf %mul3A_207, %bitcast3A_206 : vector<16xf32>
        %add3A_215 = arith.addf %add3A_179, %mul3A_214 : vector<16xf32>
        %xor3A_216 = arith.xori %add3A_88, %add3A_94 : vector<16xi32>
        %xor3A_217 = arith.xori %xor3A_216, %mul3A_97 : vector<16xi32>
        %and3A_218 = arith.constant 32767 : i32
        %and3A_219 = vector.broadcast %and3A_218 : i32 to vector<16xi32>
        %and3A_220 = arith.andi %xor3A_217, %and3A_219 : vector<16xi32>
        %shift_left3A_221 = arith.constant 1 : i32
        %shift_left3A_222 = vector.broadcast %shift_left3A_221 : i32 to vector<16xi32>
        %shift_left3A_223 = arith.shli %and3A_220, %shift_left3A_222 : vector<16xi32>
        %gather3A_224 = tpu.vector_load_idx %arg6[%shift_left3A_223] : memref<65536xi32, #tpu.memory_space<vmem>>[vector<16xi32>], vector<16xi32>,
        %or3A_225 = arith.constant 1 : i32
        %or3A_226 = vector.broadcast %or3A_225 : i32 to vector<16xi32>
        %or3A_227 = arith.ori %shift_left3A_223, %or3A_226 : vector<16xi32>
        %gather3A_228 = tpu.vector_load_idx %arg6[%or3A_227] : memref<65536xi32, #tpu.memory_space<vmem>>[vector<16xi32>], vector<16xi32>,
        %shift_left3A_229 = arith.constant 16 : i32
        %shift_left3A_230 = vector.broadcast %shift_left3A_229 : i32 to vector<16xi32>
        %shift_left3A_231 = arith.shli %gather3A_224, %shift_left3A_230 : vector<16xi32>
        %bitcast3A_232 = vector.bitcast %shift_left3A_231 : vector<16xi32> to vector<16xf32>
        %and3A_233 = vector.broadcast %scan3A : i32 to vector<16xi32>
        %and3A_234 = arith.andi %gather3A_224, %and3A_233 : vector<16xi32>
        %bitcast3A_235 = vector.bitcast %and3A_234 : vector<16xi32> to vector<16xf32>
        %shift_left3A_236 = arith.constant 16 : i32
        %shift_left3A_237 = vector.broadcast %shift_left3A_236 : i32 to vector<16xi32>
        %shift_left3A_238 = arith.shli %gather3A_228, %shift_left3A_237 : vector<16xi32>
        %bitcast3A_239 = vector.bitcast %shift_left3A_238 : vector<16xi32> to vector<16xf32>
        %and3A_240 = vector.broadcast %scan3A : i32 to vector<16xi32>
        %and3A_241 = arith.andi %gather3A_228, %and3A_240 : vector<16xi32>
        %bitcast3A_242 = vector.bitcast %and3A_241 : vector<16xi32> to vector<16xf32>
        %mul3A_243 = arith.mulf %mul3A_104, %sub3A_85 : vector<16xf32>
        %mul3A_244 = arith.mulf %mul3A_243, %bitcast3A_232 : vector<16xf32>
        %add3A_245 = arith.addf %add3A_209, %mul3A_244 : vector<16xf32>
        %mul3A_246 = arith.mulf %mul3A_243, %bitcast3A_235 : vector<16xf32>
        %add3A_247 = arith.addf %add3A_211, %mul3A_246 : vector<16xf32>
        %mul3A_248 = arith.mulf %mul3A_243, %bitcast3A_239 : vector<16xf32>
        %add3A_249 = arith.addf %add3A_213, %mul3A_248 : vector<16xf32>
        %mul3A_250 = arith.mulf %mul3A_243, %bitcast3A_242 : vector<16xf32>
        %add3A_251 = arith.addf %add3A_215, %mul3A_250 : vector<16xf32>
        %xor3A_252 = arith.xori %convert_element_type3A_69, %mul3A_91 : vector<16xi32>
        %xor3A_253 = arith.xori %xor3A_252, %add3A_100 : vector<16xi32>
        %and3A_254 = arith.constant 32767 : i32
        %and3A_255 = vector.broadcast %and3A_254 : i32 to vector<16xi32>
        %and3A_256 = arith.andi %xor3A_253, %and3A_255 : vector<16xi32>
        %shift_left3A_257 = arith.constant 1 : i32
        %shift_left3A_258 = vector.broadcast %shift_left3A_257 : i32 to vector<16xi32>
        %shift_left3A_259 = arith.shli %and3A_256, %shift_left3A_258 : vector<16xi32>
        %gather3A_260 = tpu.vector_load_idx %arg6[%shift_left3A_259] : memref<65536xi32, #tpu.memory_space<vmem>>[vector<16xi32>], vector<16xi32>,
        %or3A_261 = arith.constant 1 : i32
        %or3A_262 = vector.broadcast %or3A_261 : i32 to vector<16xi32>
        %or3A_263 = arith.ori %shift_left3A_259, %or3A_262 : vector<16xi32>
        %gather3A_264 = tpu.vector_load_idx %arg6[%or3A_263] : memref<65536xi32, #tpu.memory_space<vmem>>[vector<16xi32>], vector<16xi32>,
        %shift_left3A_265 = arith.constant 16 : i32
        %shift_left3A_266 = vector.broadcast %shift_left3A_265 : i32 to vector<16xi32>
        %shift_left3A_267 = arith.shli %gather3A_260, %shift_left3A_266 : vector<16xi32>
        %bitcast3A_268 = vector.bitcast %shift_left3A_267 : vector<16xi32> to vector<16xf32>
        %and3A_269 = vector.broadcast %scan3A : i32 to vector<16xi32>
        %and3A_270 = arith.andi %gather3A_260, %and3A_269 : vector<16xi32>
        %bitcast3A_271 = vector.bitcast %and3A_270 : vector<16xi32> to vector<16xf32>
        %shift_left3A_272 = arith.constant 16 : i32
        %shift_left3A_273 = vector.broadcast %shift_left3A_272 : i32 to vector<16xi32>
        %shift_left3A_274 = arith.shli %gather3A_264, %shift_left3A_273 : vector<16xi32>
        %bitcast3A_275 = vector.bitcast %shift_left3A_274 : vector<16xi32> to vector<16xf32>
        %and3A_276 = vector.broadcast %scan3A : i32 to vector<16xi32>
        %and3A_277 = arith.andi %gather3A_264, %and3A_276 : vector<16xi32>
        %bitcast3A_278 = vector.bitcast %and3A_277 : vector<16xi32> to vector<16xf32>
        %mul3A_279 = arith.mulf %mul3A_101, %sub3A_76 : vector<16xf32>
        %mul3A_280 = arith.mulf %mul3A_279, %bitcast3A_268 : vector<16xf32>
        %add3A_281 = arith.addf %add3A_245, %mul3A_280 : vector<16xf32>
        %mul3A_282 = arith.mulf %mul3A_279, %bitcast3A_271 : vector<16xf32>
        %add3A_283 = arith.addf %add3A_247, %mul3A_282 : vector<16xf32>
        %mul3A_284 = arith.mulf %mul3A_279, %bitcast3A_275 : vector<16xf32>
        %add3A_285 = arith.addf %add3A_249, %mul3A_284 : vector<16xf32>
        %mul3A_286 = arith.mulf %mul3A_279, %bitcast3A_278 : vector<16xf32>
        %add3A_287 = arith.addf %add3A_251, %mul3A_286 : vector<16xf32>
        %xor3A_288 = arith.xori %add3A_88, %mul3A_91 : vector<16xi32>
        %xor3A_289 = arith.xori %xor3A_288, %add3A_100 : vector<16xi32>
        %and3A_290 = arith.constant 32767 : i32
        %and3A_291 = vector.broadcast %and3A_290 : i32 to vector<16xi32>
        %and3A_292 = arith.andi %xor3A_289, %and3A_291 : vector<16xi32>
        %shift_left3A_293 = arith.constant 1 : i32
        %shift_left3A_294 = vector.broadcast %shift_left3A_293 : i32 to vector<16xi32>
        %shift_left3A_295 = arith.shli %and3A_292, %shift_left3A_294 : vector<16xi32>
        %gather3A_296 = tpu.vector_load_idx %arg6[%shift_left3A_295] : memref<65536xi32, #tpu.memory_space<vmem>>[vector<16xi32>], vector<16xi32>,
        %or3A_297 = arith.constant 1 : i32
        %or3A_298 = vector.broadcast %or3A_297 : i32 to vector<16xi32>
        %or3A_299 = arith.ori %shift_left3A_295, %or3A_298 : vector<16xi32>
        %gather3A_300 = tpu.vector_load_idx %arg6[%or3A_299] : memref<65536xi32, #tpu.memory_space<vmem>>[vector<16xi32>], vector<16xi32>,
        %shift_left3A_301 = arith.constant 16 : i32
        %shift_left3A_302 = vector.broadcast %shift_left3A_301 : i32 to vector<16xi32>
        %shift_left3A_303 = arith.shli %gather3A_296, %shift_left3A_302 : vector<16xi32>
        %bitcast3A_304 = vector.bitcast %shift_left3A_303 : vector<16xi32> to vector<16xf32>
        %and3A_305 = vector.broadcast %scan3A : i32 to vector<16xi32>
        %and3A_306 = arith.andi %gather3A_296, %and3A_305 : vector<16xi32>
        %bitcast3A_307 = vector.bitcast %and3A_306 : vector<16xi32> to vector<16xf32>
        %shift_left3A_308 = arith.constant 16 : i32
        %shift_left3A_309 = vector.broadcast %shift_left3A_308 : i32 to vector<16xi32>
        %shift_left3A_310 = arith.shli %gather3A_300, %shift_left3A_309 : vector<16xi32>
        %bitcast3A_311 = vector.bitcast %shift_left3A_310 : vector<16xi32> to vector<16xf32>
        %and3A_312 = vector.broadcast %scan3A : i32 to vector<16xi32>
        %and3A_313 = arith.andi %gather3A_300, %and3A_312 : vector<16xi32>
        %bitcast3A_314 = vector.bitcast %and3A_313 : vector<16xi32> to vector<16xf32>
        %mul3A_315 = arith.mulf %mul3A_102, %sub3A_76 : vector<16xf32>
        %mul3A_316 = arith.mulf %mul3A_315, %bitcast3A_304 : vector<16xf32>
        %add3A_317 = arith.addf %add3A_281, %mul3A_316 : vector<16xf32>
        %mul3A_318 = arith.mulf %mul3A_315, %bitcast3A_307 : vector<16xf32>
        %add3A_319 = arith.addf %add3A_283, %mul3A_318 : vector<16xf32>
        %mul3A_320 = arith.mulf %mul3A_315, %bitcast3A_311 : vector<16xf32>
        %add3A_321 = arith.addf %add3A_285, %mul3A_320 : vector<16xf32>
        %mul3A_322 = arith.mulf %mul3A_315, %bitcast3A_314 : vector<16xf32>
        %add3A_323 = arith.addf %add3A_287, %mul3A_322 : vector<16xf32>
        %xor3A_324 = arith.xori %convert_element_type3A_69, %add3A_94 : vector<16xi32>
        %xor3A_325 = arith.xori %xor3A_324, %add3A_100 : vector<16xi32>
        %and3A_326 = arith.constant 32767 : i32
        %and3A_327 = vector.broadcast %and3A_326 : i32 to vector<16xi32>
        %and3A_328 = arith.andi %xor3A_325, %and3A_327 : vector<16xi32>
        %shift_left3A_329 = arith.constant 1 : i32
        %shift_left3A_330 = vector.broadcast %shift_left3A_329 : i32 to vector<16xi32>
        %shift_left3A_331 = arith.shli %and3A_328, %shift_left3A_330 : vector<16xi32>
        %gather3A_332 = tpu.vector_load_idx %arg6[%shift_left3A_331] : memref<65536xi32, #tpu.memory_space<vmem>>[vector<16xi32>], vector<16xi32>,
        %or3A_333 = arith.constant 1 : i32
        %or3A_334 = vector.broadcast %or3A_333 : i32 to vector<16xi32>
        %or3A_335 = arith.ori %shift_left3A_331, %or3A_334 : vector<16xi32>
        %gather3A_336 = tpu.vector_load_idx %arg6[%or3A_335] : memref<65536xi32, #tpu.memory_space<vmem>>[vector<16xi32>], vector<16xi32>,
        %shift_left3A_337 = arith.constant 16 : i32
        %shift_left3A_338 = vector.broadcast %shift_left3A_337 : i32 to vector<16xi32>
        %shift_left3A_339 = arith.shli %gather3A_332, %shift_left3A_338 : vector<16xi32>
        %bitcast3A_340 = vector.bitcast %shift_left3A_339 : vector<16xi32> to vector<16xf32>
        %and3A_341 = vector.broadcast %scan3A : i32 to vector<16xi32>
        %and3A_342 = arith.andi %gather3A_332, %and3A_341 : vector<16xi32>
        %bitcast3A_343 = vector.bitcast %and3A_342 : vector<16xi32> to vector<16xf32>
        %shift_left3A_344 = arith.constant 16 : i32
        %shift_left3A_345 = vector.broadcast %shift_left3A_344 : i32 to vector<16xi32>
        %shift_left3A_346 = arith.shli %gather3A_336, %shift_left3A_345 : vector<16xi32>
        %bitcast3A_347 = vector.bitcast %shift_left3A_346 : vector<16xi32> to vector<16xf32>
        %and3A_348 = vector.broadcast %scan3A : i32 to vector<16xi32>
        %and3A_349 = arith.andi %gather3A_336, %and3A_348 : vector<16xi32>
        %bitcast3A_350 = vector.bitcast %and3A_349 : vector<16xi32> to vector<16xf32>
        %mul3A_351 = arith.mulf %mul3A_103, %sub3A_76 : vector<16xf32>
        %mul3A_352 = arith.mulf %mul3A_351, %bitcast3A_340 : vector<16xf32>
        %add3A_353 = arith.addf %add3A_317, %mul3A_352 : vector<16xf32>
        %mul3A_354 = arith.mulf %mul3A_351, %bitcast3A_343 : vector<16xf32>
        %add3A_355 = arith.addf %add3A_319, %mul3A_354 : vector<16xf32>
        %mul3A_356 = arith.mulf %mul3A_351, %bitcast3A_347 : vector<16xf32>
        %add3A_357 = arith.addf %add3A_321, %mul3A_356 : vector<16xf32>
        %mul3A_358 = arith.mulf %mul3A_351, %bitcast3A_350 : vector<16xf32>
        %add3A_359 = arith.addf %add3A_323, %mul3A_358 : vector<16xf32>
        %xor3A_360 = arith.xori %add3A_88, %add3A_94 : vector<16xi32>
        %xor3A_361 = arith.xori %xor3A_360, %add3A_100 : vector<16xi32>
        %and3A_362 = arith.constant 32767 : i32
        %and3A_363 = vector.broadcast %and3A_362 : i32 to vector<16xi32>
        %and3A_364 = arith.andi %xor3A_361, %and3A_363 : vector<16xi32>
        %shift_left3A_365 = arith.constant 1 : i32
        %shift_left3A_366 = vector.broadcast %shift_left3A_365 : i32 to vector<16xi32>
        %shift_left3A_367 = arith.shli %and3A_364, %shift_left3A_366 : vector<16xi32>
        %gather3A_368 = tpu.vector_load_idx %arg6[%shift_left3A_367] : memref<65536xi32, #tpu.memory_space<vmem>>[vector<16xi32>], vector<16xi32>,
        %or3A_369 = arith.constant 1 : i32
        %or3A_370 = vector.broadcast %or3A_369 : i32 to vector<16xi32>
        %or3A_371 = arith.ori %shift_left3A_367, %or3A_370 : vector<16xi32>
        %gather3A_372 = tpu.vector_load_idx %arg6[%or3A_371] : memref<65536xi32, #tpu.memory_space<vmem>>[vector<16xi32>], vector<16xi32>,
        %shift_left3A_373 = arith.constant 16 : i32
        %shift_left3A_374 = vector.broadcast %shift_left3A_373 : i32 to vector<16xi32>
        %shift_left3A_375 = arith.shli %gather3A_368, %shift_left3A_374 : vector<16xi32>
        %bitcast3A_376 = vector.bitcast %shift_left3A_375 : vector<16xi32> to vector<16xf32>
        %and3A_377 = vector.broadcast %scan3A : i32 to vector<16xi32>
        %and3A_378 = arith.andi %gather3A_368, %and3A_377 : vector<16xi32>
        %bitcast3A_379 = vector.bitcast %and3A_378 : vector<16xi32> to vector<16xf32>
        %shift_left3A_380 = arith.constant 16 : i32
        %shift_left3A_381 = vector.broadcast %shift_left3A_380 : i32 to vector<16xi32>
        %shift_left3A_382 = arith.shli %gather3A_372, %shift_left3A_381 : vector<16xi32>
        %bitcast3A_383 = vector.bitcast %shift_left3A_382 : vector<16xi32> to vector<16xf32>
        %and3A_384 = vector.broadcast %scan3A : i32 to vector<16xi32>
        %and3A_385 = arith.andi %gather3A_372, %and3A_384 : vector<16xi32>
        %bitcast3A_386 = vector.bitcast %and3A_385 : vector<16xi32> to vector<16xf32>
        %mul3A_387 = arith.mulf %mul3A_104, %sub3A_76 : vector<16xf32>
        %mul3A_388 = arith.mulf %mul3A_387, %bitcast3A_376 : vector<16xf32>
        %add3A_389 = arith.addf %add3A_353, %mul3A_388 : vector<16xf32>
        %mul3A_390 = arith.mulf %mul3A_387, %bitcast3A_379 : vector<16xf32>
        %add3A_391 = arith.addf %add3A_355, %mul3A_390 : vector<16xf32>
        %mul3A_392 = arith.mulf %mul3A_387, %bitcast3A_383 : vector<16xf32>
        %add3A_393 = arith.addf %add3A_357, %mul3A_392 : vector<16xf32>
        %mul3A_394 = arith.mulf %mul3A_387, %bitcast3A_386 : vector<16xf32>
        %add3A_395 = arith.addf %add3A_359, %mul3A_394 : vector<16xf32>
        tpu.vector_store_idx %arg12[%get3A_65], %add3A_389 : memref<28688xf32, #tpu.memory_space<vmem>>[vector<16xi32>], vector<16xf32>,
        %add3A_396 = arith.constant 4096 : i32
        %add3A_397 = vector.broadcast %add3A_396 : i32 to vector<16xi32>
        %add3A_398 = arith.addi %get3A_65, %add3A_397 : vector<16xi32>
        tpu.vector_store_idx %arg12[%add3A_398], %add3A_391 : memref<28688xf32, #tpu.memory_space<vmem>>[vector<16xi32>], vector<16xf32>,
        %add3A_399 = arith.constant 8192 : i32
        %add3A_400 = vector.broadcast %add3A_399 : i32 to vector<16xi32>
        %add3A_401 = arith.addi %get3A_65, %add3A_400 : vector<16xi32>
        tpu.vector_store_idx %arg12[%add3A_401], %add3A_393 : memref<28688xf32, #tpu.memory_space<vmem>>[vector<16xi32>], vector<16xf32>,
        %add3A_402 = arith.constant 12288 : i32
        %add3A_403 = vector.broadcast %add3A_402 : i32 to vector<16xi32>
        %add3A_404 = arith.addi %get3A_65, %add3A_403 : vector<16xi32>
        tpu.vector_store_idx %arg12[%add3A_404], %add3A_395 : memref<28688xf32, #tpu.memory_space<vmem>>[vector<16xi32>], vector<16xf32>,
      }
      %mul3A_46 = arith.constant 294912 : i32
      %mul3A_47 = arith.muli %add3A, %mul3A_46 : i32
      %mul3A_48 = arith.constant 4 : i32
      %mul3A_49 = arith.muli %mul3A_48, %arg1 : i32
      %mul3A_50 = arith.constant 4096 : i32
      %mul3A_51 = arith.muli %mul3A_49, %mul3A_50 : i32
      %add3A_52 = arith.addi %mul3A_47, %mul3A_51 : i32
      "tpu.region"() ({
        %run_scoped3A = tpu.sem_alloc : memref<!tpu.dma_semaphore, #tpu.memory_space<semaphore_mem>>
        %dma_start3A = arith.constant 0 : i32
        %dma_start3A_55 = tpu.memref_slice %arg12[%dma_start3A] : memref<28688xf32, #tpu.memory_space<vmem>> -> memref<16384xf32, #tpu.memory_space<vmem>>
        %dma_start3A_56 = tpu.memref_slice %arg5[%add3A_52] : memref<18874368xf32, #tpu.memory_space<hbm>> -> memref<16384xf32, #tpu.memory_space<hbm>>
        %dma_start3A_57 = tpu.memref_slice %arg5[%add3A_52] : memref<18874368xf32, #tpu.memory_space<hbm>> -> memref<16384xf32, #tpu.memory_space<hbm>>
        %dma_start3A_58 = arith.constant 0 : i32
        %dma_start3A_59 = tpu.memref_slice %arg12[%dma_start3A_58] : memref<28688xf32, #tpu.memory_space<vmem>> -> memref<16384xf32, #tpu.memory_space<vmem>>
        tpu.enqueue_dma source(%dma_start3A_59 : memref<16384xf32, #tpu.memory_space<vmem>>) target(%dma_start3A_57 : memref<16384xf32, #tpu.memory_space<hbm>>) target_semaphore(%run_scoped3A : memref<!tpu.dma_semaphore, #tpu.memory_space<semaphore_mem>>)
        %dma_wait3A = arith.constant 0 : i32
        %dma_wait3A_60 = tpu.memref_slice %arg12[%dma_wait3A] : memref<28688xf32, #tpu.memory_space<vmem>> -> memref<16384xf32, #tpu.memory_space<vmem>>
        %dma_wait3A_61 = tpu.memref_slice %arg5[%add3A_52] : memref<18874368xf32, #tpu.memory_space<hbm>> -> memref<16384xf32, #tpu.memory_space<hbm>>
        %dma_wait3A_62 = tpu.memref_slice %arg5[%add3A_52] : memref<18874368xf32, #tpu.memory_space<hbm>> -> memref<16384xf32, #tpu.memory_space<hbm>>
        %dma_wait3A_63 = arith.constant 0 : i32
        %dma_wait3A_64 = tpu.memref_slice %arg12[%dma_wait3A_63] : memref<28688xf32, #tpu.memory_space<vmem>> -> memref<16384xf32, #tpu.memory_space<vmem>>
        tpu.wait_dma2 semaphore(%run_scoped3A : memref<!tpu.dma_semaphore, #tpu.memory_space<semaphore_mem>>) src(%dma_wait3A_64 : memref<16384xf32, #tpu.memory_space<vmem>>) dst(%dma_wait3A_62 : memref<16384xf32, #tpu.memory_space<hbm>>)
        tpu.yield
      }) : () -> ()
      %convert_element_type3A_53 = arith.extui %eq3A_0 : i1 to i32
      %cond3A = arith.constant 0 : i32
      %cond3A_54 = arith.cmpi ne, %convert_element_type3A_53, %cond3A : i32
      scf.if %cond3A_54 {
        %add3A_55 = arith.constant 262144 : i32
        %add3A_56 = arith.addi %mul3A_47, %add3A_55 : i32
        "tpu.region"() ({
          %run_scoped3A = tpu.sem_alloc : memref<!tpu.dma_semaphore, #tpu.memory_space<semaphore_mem>>
          %dma_start3A = tpu.memref_slice %arg5[%add3A_56] : memref<18874368xf32, #tpu.memory_space<hbm>> -> memref<4096xf32, #tpu.memory_space<hbm>>
          %dma_start3A_57 = tpu.memref_slice %arg5[%add3A_56] : memref<18874368xf32, #tpu.memory_space<hbm>> -> memref<4096xf32, #tpu.memory_space<hbm>>
          tpu.enqueue_dma source(%arg13 : memref<4096xf32, #tpu.memory_space<vmem>>) target(%dma_start3A_57 : memref<4096xf32, #tpu.memory_space<hbm>>) target_semaphore(%run_scoped3A : memref<!tpu.dma_semaphore, #tpu.memory_space<semaphore_mem>>)
          %dma_wait3A = tpu.memref_slice %arg5[%add3A_56] : memref<18874368xf32, #tpu.memory_space<hbm>> -> memref<4096xf32, #tpu.memory_space<hbm>>
          %dma_wait3A_58 = tpu.memref_slice %arg5[%add3A_56] : memref<18874368xf32, #tpu.memory_space<hbm>> -> memref<4096xf32, #tpu.memory_space<hbm>>
          tpu.wait_dma2 semaphore(%run_scoped3A : memref<!tpu.dma_semaphore, #tpu.memory_space<semaphore_mem>>) src(%arg13 : memref<4096xf32, #tpu.memory_space<vmem>>) dst(%dma_wait3A_58 : memref<4096xf32, #tpu.memory_space<hbm>>)
          tpu.yield
        }) : () -> ()
      } else {
      }
    }
    %scan3A_18 = arith.constant 32 : i32
    return
  }
}

module attributes {stable_mosaic.version = 14 : i64} {
  func.func @_mlp_body(%arg0: i32, %arg1: memref<72x4096xf32, #tpu.memory_space<vmem>>, %arg2: memref<64x64xf32, #tpu.memory_space<vmem>>, %arg3: memref<64x64xf32, #tpu.memory_space<vmem>>, %arg4: memref<64x8xf32, #tpu.memory_space<vmem>>, %arg5: memref<8x4096xf32, #tpu.memory_space<vmem>>) attributes {dimension_semantics = [#tpu.dimension_semantics<arbitrary>], iteration_bounds = array<i64: 64>, scalar_prefetch = 0 : i64, scratch_operands = 0 : i64, tpu.core_type = #tpu.core_type<tc>, window_params = [{transform_indices = @transform_0, window_bounds = array<i64: 72, 4096>}, {pipeline_mode = #tpu.pipeline_mode<synchronous>, transform_indices = @transform_1, window_bounds = array<i64: 64, 64>}, {pipeline_mode = #tpu.pipeline_mode<synchronous>, transform_indices = @transform_2, window_bounds = array<i64: 64, 64>}, {pipeline_mode = #tpu.pipeline_mode<synchronous>, transform_indices = @transform_3, window_bounds = array<i64: 64, 8>}, {transform_indices = @transform_4, window_bounds = array<i64: 8, 4096>}]} {
    %get3A = arith.constant 0 : index
    %get3A_0 = arith.constant 0 : index
    %get3A_1 = vector.load %arg1[%get3A, %get3A_0] : memref<72x4096xf32, #tpu.memory_space<vmem>>, vector<72x4096xf32>
    %slice3A = vector.extract_strided_slice %get3A_1 {offsets = [0, 0], sizes = [64, 4096], strides = [1, 1]} : vector<72x4096xf32> to vector<64x4096xf32>
    %slice3A_2 = vector.extract_strided_slice %get3A_1 {offsets = [64, 0], sizes = [1, 4096], strides = [1, 1]} : vector<72x4096xf32> to vector<1x4096xf32>
    %get3A_3 = arith.constant 0 : index
    %get3A_4 = arith.constant 0 : index
    %get3A_5 = vector.load %arg2[%get3A_3, %get3A_4] : memref<64x64xf32, #tpu.memory_space<vmem>>, vector<64x64xf32>
    %dot_general3A = arith.constant dense<0.000000e+00> : vector<64x4096xf32>
    %dot_general3A_6 = tpu.matmul %get3A_5, %slice3A, %dot_general3A {dimension_numbers = #tpu.dot_dimension_numbers<[0], [0], [1], [1], [0, 1, 1, 1], [], []>, transpose_lhs_hint = false} : vector<64x64xf32>, vector<64x4096xf32>, vector<64x4096xf32> -> vector<64x4096xf32>
    %max3A = arith.constant 0.000000e+00 : f32
    %max3A_7 = vector.broadcast %max3A : f32 to vector<64x4096xf32>
    %max3A_8 = arith.maximumf %dot_general3A_6, %max3A_7 : vector<64x4096xf32>
    %get3A_9 = arith.constant 0 : index
    %get3A_10 = arith.constant 0 : index
    %get3A_11 = vector.load %arg3[%get3A_9, %get3A_10] : memref<64x64xf32, #tpu.memory_space<vmem>>, vector<64x64xf32>
    %dot_general3A_12 = arith.constant dense<0.000000e+00> : vector<64x4096xf32>
    %dot_general3A_13 = tpu.matmul %get3A_11, %max3A_8, %dot_general3A_12 {dimension_numbers = #tpu.dot_dimension_numbers<[0], [0], [1], [1], [0, 1, 1, 1], [], []>, transpose_lhs_hint = false} : vector<64x64xf32>, vector<64x4096xf32>, vector<64x4096xf32> -> vector<64x4096xf32>
    %max3A_14 = arith.constant 0.000000e+00 : f32
    %max3A_15 = vector.broadcast %max3A_14 : f32 to vector<64x4096xf32>
    %max3A_16 = arith.maximumf %dot_general3A_13, %max3A_15 : vector<64x4096xf32>
    %get3A_17 = arith.constant 0 : index
    %get3A_18 = arith.constant 0 : index
    %get3A_19 = vector.load %arg4[%get3A_17, %get3A_18] : memref<64x8xf32, #tpu.memory_space<vmem>>, vector<64x8xf32>
    %dot_general3A_20 = arith.constant dense<0.000000e+00> : vector<8x4096xf32>
    %dot_general3A_21 = tpu.matmul %get3A_19, %max3A_16, %dot_general3A_20 {dimension_numbers = #tpu.dot_dimension_numbers<[0], [0], [1], [1], [0, 1, 1, 1], [], []>, transpose_lhs_hint = false} : vector<64x8xf32>, vector<64x4096xf32>, vector<8x4096xf32> -> vector<8x4096xf32>
    %gt3A = arith.constant 5.000000e-01 : f32
    %gt3A_22 = vector.broadcast %gt3A : f32 to vector<1x4096xf32>
    %gt3A_23 = arith.cmpf ogt, %slice3A_2, %gt3A_22 : vector<1x4096xf32>
    %slice3A_24 = vector.extract_strided_slice %dot_general3A_21 {offsets = [0, 0], sizes = [3, 4096], strides = [1, 1]} : vector<8x4096xf32> to vector<3x4096xf32>
    %jit3A = arith.constant 0.000000e+00 : f32
    %broadcast_in_dim3A = vector.shape_cast %gt3A_23 : vector<1x4096xi1> to vector<1x4096xi1>
    %broadcast_in_dim3A_25 = vector.broadcast %broadcast_in_dim3A : vector<1x4096xi1> to vector<3x4096xi1>
    %broadcast_in_dim3A_26 = vector.broadcast %jit3A : f32 to vector<3x4096xf32>
    %select_n3A = arith.select %broadcast_in_dim3A_25, %slice3A_24, %broadcast_in_dim3A_26 : vector<3x4096xi1>, vector<3x4096xf32>
    %slice3A_27 = vector.extract_strided_slice %dot_general3A_21 {offsets = [3, 0], sizes = [1, 4096], strides = [1, 1]} : vector<8x4096xf32> to vector<1x4096xf32>
    %jit3A_28 = arith.constant 1.000000e+00 : f32
    %broadcast_in_dim3A_29 = vector.broadcast %jit3A_28 : f32 to vector<1x4096xf32>
    %select_n3A_30 = arith.select %gt3A_23, %slice3A_27, %broadcast_in_dim3A_29 : vector<1x4096xi1>, vector<1x4096xf32>
    %slice3A_31 = vector.extract_strided_slice %dot_general3A_21 {offsets = [4, 0], sizes = [3, 4096], strides = [1, 1]} : vector<8x4096xf32> to vector<3x4096xf32>
    %jit3A_32 = arith.constant 0.000000e+00 : f32
    %broadcast_in_dim3A_33 = vector.shape_cast %gt3A_23 : vector<1x4096xi1> to vector<1x4096xi1>
    %broadcast_in_dim3A_34 = vector.broadcast %broadcast_in_dim3A_33 : vector<1x4096xi1> to vector<3x4096xi1>
    %broadcast_in_dim3A_35 = vector.broadcast %jit3A_32 : f32 to vector<3x4096xf32>
    %select_n3A_36 = arith.select %broadcast_in_dim3A_34, %slice3A_31, %broadcast_in_dim3A_35 : vector<3x4096xi1>, vector<3x4096xf32>
    %concatenate3A = tpu.concatenate %select_n3A, %select_n3A_30, %select_n3A_36, %slice3A_2 in 0 : vector<3x4096xf32>, vector<1x4096xf32>, vector<3x4096xf32>, vector<1x4096xf32> -> vector<8x4096xf32>
    %swap3A = arith.constant 0 : index
    %swap3A_37 = arith.constant 0 : index
    %swap3A_38 = vector.load %arg5[%swap3A, %swap3A_37] : memref<8x4096xf32, #tpu.memory_space<vmem>>, vector<8x4096xf32>
    tpu.vector_store %arg5[%swap3A, %swap3A_37], %concatenate3A {strides = array<i32>} : memref<8x4096xf32, #tpu.memory_space<vmem>>, vector<8x4096xf32>,
    return
  }
  func.func @transform_0(%arg0: i32) -> (i32, i32) {
    %c0_i32 = arith.constant 0 : i32
    %c0_i32_0 = arith.constant 0 : i32
    return %arg0, %c0_i32 : i32, i32
  }
  func.func @transform_1(%arg0: i32) -> (i32, i32) {
    %c0_i32 = arith.constant 0 : i32
    %c0_i32_0 = arith.constant 0 : i32
    %c0_i32_1 = arith.constant 0 : i32
    return %c0_i32, %c0_i32_0 : i32, i32
  }
  func.func @transform_2(%arg0: i32) -> (i32, i32) {
    %c0_i32 = arith.constant 0 : i32
    %c0_i32_0 = arith.constant 0 : i32
    %c0_i32_1 = arith.constant 0 : i32
    return %c0_i32, %c0_i32_0 : i32, i32
  }
  func.func @transform_3(%arg0: i32) -> (i32, i32) {
    %c0_i32 = arith.constant 0 : i32
    %c0_i32_0 = arith.constant 0 : i32
    %c0_i32_1 = arith.constant 0 : i32
    return %c0_i32, %c0_i32_0 : i32, i32
  }
  func.func @transform_4(%arg0: i32) -> (i32, i32) {
    %c0_i32 = arith.constant 0 : i32
    %c0_i32_0 = arith.constant 0 : i32
    return %c0_i32, %arg0 : i32, i32
  }
}

</mosaic_0001>

<sc_bundles>
// kernel: kernel.4.cloned.1.call-start
scs
__scs_entry_jumppad:
0x0: {  	(pc) =	sbr.rel $0x88, $3  }
0x1: {  	(tag) =	ssettag $0x0;
	lr =	simm.s32 $0x1  }
0x2: {  	[smem:$0x3F9A] =	sst lr;
	_ =	strace $0xD0000000  }
0x3: {  	_ = 	snop  }
0x4: {  	_ = 	snop  }
0x5: {  	_ = 	snop  }
0x6: {  	_ = 	snop  }
0x7: {  	_ = 	snop  }
__scs_overlays_trampoline_lowered:
0x8: {  	[smem:$0x3FA9] =	sst s0  }
0x9: {  	[smem:$0x3FAA] =	sst s1  }
0xa: {  	[smem:$0x3FAB] =	sst s2  }
0xb: {  	[smem:$0x3FAC] =	sst s3  }
0xc: {  	[smem:$0x3FAD] =	sst s4  }
0xd: {  	[smem:$0x3FAE] =	sst s5  }
0xe: {  	[smem:$0x3FAF] =	sst s6  }
0xf: {  	[smem:$0x3FB0] =	sst s7  }
0x10: {  	[smem:$0x3FB1] =	sst s8  }
0x11: {  	[smem:$0x3FB2] =	sst s9;
	s0 =	simm.s32 @!p0 $0x0  }
0x12: {  	s1 =	sld [smem:$0x3F98];
	s0 =	simm.s32 @p0 $0x1  }
0x13: {  	[smem:$0x3FB3] =	sst s0;
	s0 =	simm.s32 @!p1 $0x0  }
0x14: {  	s2 =	sld [smem:$0x3F97];
	s0 =	simm.s32 @p1 $0x1  }
0x15: {  	[smem:$0x3FB4] =	sst s0;
	s0 =	simm.s32 @!p2 $0x0  }
0x16: {  	s3 =	sld [smem:$0x3FDB];
	s0 =	simm.s32 @p2 $0x1  }
0x17: {  	s4 =	simm.s32 $0x1BF5;
	[smem:$0x3FB6] =	sst s0  }
0x18: {  	s0 =	sld [smem:$0x3F99];
	_ =	swait.ge [sflag:s4], $0x0  }
0x19: {  	s7 =	sld [smem:$0x3F9A]  }
0x1a: {  	s8 =	sadd.s32 $0xFFFFE003, lr  }
0x1b: {  	s9 =	sadd.s32 $0xFFFFFEF7, lr;
	s5 =	simm.s32 $0xFFFFFFFF;
	p2 =	slt.u32 s8, $0xFFFFF086  }
0x1c: {  	p1 =	slt.u32 s9, $0xF7A;
	s5 =	simm.s32 @!p2 $0x0  }
0x1d: {  	s5 =	simm.s32 @p1 $0x1;
	p0 =	seq.s32 s7, s2  }
0x1e: {  	s7 =	smul.u32 @!p0 $0xF7A, s2;
	p2 =	seq.s32 @!p0 s5, $0x0  }
0x1f: {  	s9 =	smul.u32 $0xF7A, s1;
	s8 =	simm.s32 @!p0 $0x1BF5;
	p2 =	por !p2, p0  }
0x20: {  	[sflag:s8] =	ssyncset.s32 @!p0 $0xFFFFF086;
	s6 =	sadd.s32 @!p0 s3, s7;
	s7 =	simm.s32 @!p0 $0x108  }
0x21: {  	s3 =	sadd.s32 s3, s9;
	s6 =	sadd.s32 @!p0 $0x88, s6;
	s7 =	simm.s32 @p2 $0x1082  }
0x22: {  	[simem:s7], [sflag:s8] =	dma.local @!p0 [hbm:s6], $0xF7A  }
0x23: {  	s9 =	sor.u32 $0xD0000000, s2;
	s6 =	simm.s32 $0x108;
	_ =	swait.ge @!p0 [sflag:s8], $0x0  }
0x24: {  	s3 =	sadd.s32 $0x88, s3;
	s6 =	simm.s32 @!p1 $0x1082;
	[sflag:s4] =	ssyncset.s32 $0xFFFFF086  }
0x25: {  	[simem:s6], [sflag:s4] =	dma.local [hbm:s3], $0xF7A  }
0x26: {  	[smem:$0x3F9A] =	sst s1;
	(tag) =	ssettag s2;
	_ =	strace s9  }
0x27: {  	s1 =	sld [smem:$0x3FAA]  }
0x28: {  	s2 =	sld [smem:$0x3FAB]  }
0x29: {  	s4 =	sld [smem:$0x3FAD]  }
0x2a: {  	p0 =	seq.s32 s5, $0x0;
	s5 =	sld [smem:$0x3FAE]  }
0x2b: {  	s6 =	sld [smem:$0x3FAF]  }
0x2c: {  	s7 =	sld [smem:$0x3FB0]  }
0x2d: {  	s3 =	simm.s32 $0x108;
	s8 =	sld [smem:$0x3FB1]  }
0x2e: {  	s3 =	simm.s32 @!p0 $0x1082;
	s9 =	sld [smem:$0x3FB2]  }
0x2f: {  	lr =	sadd.s32 s0, s3;
	s0 =	sld [smem:$0x3FA9]  }
0x30: {  	s3 =	sld [smem:$0x3FAC]  }
0x31: {  	[smem:$0x3FB5] =	sst s10  }
0x32: {  	s10 =	sld [smem:$0x3FB3];
	_ =	sdelay $0x3  }
0x33: {  	p0 =	seq.s32 s10, $0x1;
	s10 =	sld [smem:$0x3FB5];
	_ =	sdelay $0x3  }
0x34: {  	[smem:$0x3FB5] =	sst s10  }
0x35: {  	s10 =	sld [smem:$0x3FB4];
	_ =	sdelay $0x3  }
0x36: {  	p1 =	seq.s32 s10, $0x1;
	s10 =	sld [smem:$0x3FB5];
	_ =	sdelay $0x3  }
0x37: {  	[smem:$0x3FB5] =	sst s10  }
0x38: {  	s10 =	sld [smem:$0x3FB6]  }
0x39: {  	_ = 	snop;
	(pc) =	sbr.ind lr, $3  }
0x3a: {  	_ = 	snop  }
0x3b: {  	_ = 	snop  }
0x3c: {  	p2 =	seq.s32 s10, $0x1;
	s10 =	sld [smem:$0x3FB5]  }
0x3d: {  	_ =	shalt  }
0x3e: {  	_ =	shalt  }
0x3f: {  	_ =	shalt  }
0x40: {  	_ =	shalt  }
0x41: {  	_ =	shalt  }
0x42: {  	_ =	shalt  }
0x43: {  	_ =	shalt  }
0x44: {  	_ =	shalt  }
0x45: {  	_ =	shalt  }
0x46: {  	_ =	shalt  }
0x47: {  	_ =	shalt  }
0x48: {  	_ =	shalt  }
0x49: {  	_ =	shalt  }
0x4a: {  	_ =	shalt  }
0x4b: {  	_ =	shalt  }
0x4c: {  	_ =	shalt  }
0x4d: {  	_ =	shalt  }
0x4e: {  	_ =	shalt  }
0x4f: {  	_ =	shalt  }
0x50: {  	_ =	shalt  }
0x51: {  	_ =	shalt  }
0x52: {  	_ =	shalt  }
0x53: {  	_ =	shalt  }
0x54: {  	_ =	shalt  }
0x55: {  	_ =	shalt  }
0x56: {  	_ =	shalt  }
0x57: {  	_ =	shalt  }
0x58: {  	_ =	shalt  }
0x59: {  	_ =	shalt  }
0x5a: {  	_ =	shalt  }
0x5b: {  	_ =	shalt  }
0x5c: {  	_ =	shalt  }
0x5d: {  	_ =	shalt  }
0x5e: {  	_ =	shalt  }
0x5f: {  	_ =	shalt  }
0x60: {  	_ =	shalt  }
0x61: {  	_ =	shalt  }
0x62: {  	_ =	shalt  }
0x63: {  	_ =	shalt  }
0x64: {  	_ =	shalt  }
0x65: {  	_ =	shalt  }
0x66: {  	_ =	shalt  }
0x67: {  	_ =	shalt  }
0x68: {  	_ =	shalt  }
0x69: {  	_ =	shalt  }
0x6a: {  	_ =	shalt  }
0x6b: {  	_ =	shalt  }
0x6c: {  	_ =	shalt  }
0x6d: {  	_ =	shalt  }
0x6e: {  	_ =	shalt  }
0x6f: {  	_ =	shalt  }
0x70: {  	_ =	shalt  }
0x71: {  	_ =	shalt  }
0x72: {  	_ =	shalt  }
0x73: {  	_ =	shalt  }
0x74: {  	_ =	shalt  }
0x75: {  	_ =	shalt  }
0x76: {  	_ =	shalt  }
0x77: {  	_ =	shalt  }
0x78: {  	_ =	shalt  }
0x79: {  	_ =	shalt  }
0x7a: {  	_ =	shalt  }
0x7b: {  	_ =	shalt  }
0x7c: {  	_ =	shalt  }
0x7d: {  	_ =	shalt  }
0x7e: {  	_ =	shalt  }
0x7f: {  	_ =	shalt  }
0x80: {  	_ =	shalt  }
0x81: {  	_ =	shalt  }
0x82: {  	_ =	shalt  }
0x83: {  	_ =	shalt  }
0x84: {  	_ =	shalt  }
0x85: {  	_ =	shalt  }
0x86: {  	_ =	shalt  }
0x87: {  	_ =	shalt  }
.Lfunc_end0:
.L_simem_size_0:
called_computation_lowered:
.L_overlay_start_0:
0x88: {  	s2 =	sld [smem:$0x3FD9]  }
0x89: {  	s3 =	sld [smem:$0x3FFE];
	_ =	sdelay $0x1  }
0x8a: {  	s1 =	srdreg.scid  }
0x8b: {  	s0 =	sand.u32 $0x1, s1  }
0x8c: {  	s14 =	sshll.u32 s0, $0xA;
	s2 =	sadd.s32 s3, s2  }
0x8d: {  	s2 =	sadd.s32 s2, s14  }
0x8e: {  	[smem:$0x3FC1] =	sst s2  }
0x8f: {  	_ = 	snop  }
0x90: {  	s2 =	sld [smem:$0x3FD0];
	_ =	sdelay $0x2  }
0x91: {  	s15 =	simm.s32 $0xA;
	s4 =	simm.s32 $0x10  }
0x92: {  	[smem:s4], [sflag:s15] =	dma.local [hbm:s2], $0x1  }
0x93: {  	_ =	swait.eq [sflag:s15], $0x1  }
0x94: {  	s16 =	sld [smem:$0x10];
	[sflag:s15] =	ssyncset.done $0x0  }
0x95: {  	s17 =	sld [smem:$0x11];
	[sflag:s15] =	ssyncadd.s32 $0xFFFFFFFF  }
0x96: {  	s18 =	sld [smem:$0x12];
	(tm) =	ssettm $0x1  }
0x97: {  	s5 =	sld [smem:$0x3FFB];
	_ =	sdelay $0x3  }
0x98: {  	_ =	strace s5  }
0x99: {  	s5 =	sld [smem:$0x3FFC];
	_ =	sdelay $0x3  }
0x9a: {  	_ =	strace s5  }
0x9b: {  	s5 =	sld [smem:$0x3FFD];
	_ =	sdelay $0x3  }
0x9c: {  	_ =	strace s5  }
0x9d: {  	_ =	strace $0x8FFFFFFF  }
0x9e: {  	s19 =	sld [smem:$0x3FDB];
	_ =	sdelay $0x1  }
0x9f: {  	s6 =	simm.s32 $_scs_section_size  }
0xa0: {  	s7 =	simm.s32 $_size__tile_overlayer_lowered;
	s8 =	simm.s32 $_tile_overlayer_lowered  }
0xa1: {  	s22 =	simm.s32 $0x1BFF;
	s21 =	sshll.u32 s8, $0x1;
	s5 =	sadd.s32 s6, s19  }
0xa2: {  	s9 =	simm.s32 $0x0;
	s20 =	sshll.u32 s7, $0x1;
	s7 =	sadd.s32 s21, s5  }
0xa3: {  	[timem:s9], [sflag:s22] =	dma.local [hbm:s7], s20  }
0xa4: {  	_ =	swait.ge [sflag:s22], s20  }
0xa5: {  	s6 =	ssub.s32 $0x0, s20;
	[sflag:s22] =	ssyncset.done $0x0  }
0xa6: {  	[sflag:s22] =	ssyncadd.s32 s6;
	_ =	sdelay $0x1  }
0xa7: {  	s23 =	simm.s32 $0x1B8B  }
0xa8: {  	_ =	swait.ge [sflag:s23], $0x1  }
0xa9: {  	[sflag:s23] =	ssyncset.done $0x0  }
0xaa: {  	s25 =	simm.s32 $0x1B8E;
	s24 =	sld [smem:$0x3FFE];
	[sflag:s23] =	ssyncadd.s32 $0xFFFFFFFF  }
0xab: {  	s26 =	simm.s32 $execute0_lowered;
	[smem:$0x3FD2] =	sst s25  }
0xac: {  	s7 =	sshll.u32 s26, $0x1;
	_ =	strace $0x80000046;
	[dreg:$0x1] =	wrdreg $0xFFFFFFFF  }
0xad: {  	s28 =	simm.s32 $_size_execute0_lowered;
	s5 =	sadd.s32 s5, s7;
	[dreg:$0x0] =	wrdreg $0x0  }
0xae: {  	s7 =	sshll.u32 s28, $0x1;
	[dreg:$0x2] =	wrdreg s5  }
0xaf: {  	[dreg:$0x3] =	wrdreg s7  }
0xb0: {  	[dreg:$0x4] =	wrdreg $0xC0  }
0xb1: {  	_ =	task [dreg:s9], $0x5FFFF  }
0xb2: {  	[dreg:$0x1] =	wrdreg $0xFFFFFFFF  }
0xb3: {  	[dreg:$0x0] =	wrdreg $0x60  }
0xb4: {  	[dreg:$0x2] =	wrdreg s18  }
0xb5: {  	[dreg:$0x3] =	wrdreg s17  }
0xb6: {  	[dreg:$0x4] =	wrdreg s16  }
0xb7: {  	[dreg:$0x5] =	wrdreg s24  }
0xb8: {  	[dreg:$0x6] =	wrdreg $0x9  }
0xb9: {  	_ =	task.clear_ibuf [dreg:s9], $0x7FFFF;
	_ =	strace $0x90000046  }
0xba: {  	s29 =	simm.s32 $0x9;
	_ =	strace $0x80000048  }
0xbb: {  	_ =	swait.ge [sflag:s29], $0x1  }
0xbc: {  	[sflag:s29] =	ssyncadd.s32 $0xFFFFFFFF  }
0xbd: {  	_ =	strace $0x90000048  }
0xbe: {  	_ =	sfence  }
0xbf: {  	s30 =	sld [smem:$0x0];
	_ =	sdelay $0x2  }
0xc0: {  	s31 =	sshll.u32 s1, $0xD;
	s1 =	sshrl.u32 s1, $0x2  }
0xc1: {  	s3 =	sand.u32 $0x4000, s31;
	s1 =	sadd.s32 s1, s30  }
0xc2: {  	s0 =	sor.u32 s3, s0;
	s1 =	sshll.u32 s1, $0x11  }
0xc3: {  	s0 =	sor.u32 s1, s0  }
0xc4: {  	s0 =	sadd.s32 $0x8F2B, s0  }
0xc5: {  	[sflag:s0] =	ssyncadd.remote.s32 $0x1  }
0xc6: {  	_ =	sfence.sel $0xFFFF  }
0xc7: {  	[dreg:$0x0] =	wrdreg $0xFFFFFFFF;
	(pc) =	sbr.abs _section_cstart, $3  }
0xc8: {  	[dreg:$0x1] =	wrdreg $0xFFFFFFFF  }
0xc9: {  	_ =	task.clear_ibuf [dreg:s9], $0x2FFFF;
	_ =	strace $0x9FFFFFFF  }
0xca: {  	(tm) =	ssettm $0x7FFFFFFF  }
0xcb: {  	_ =	shalt  }
tec
execute0_lowered:
.L_overlay_start_1:
0x0: {  	(tag) =	ssettag $0x1  }
0x1: {  	s5 =	rddreg [dreg:$0x0]  }
0x2: {  	s1 =	rddreg [dreg:$0x1]  }
0x3: {  	s2 =	rddreg [dreg:$0x2]  }
0x4: {  	s4 =	rddreg [dreg:$0x3]  }
0x5: {  	s0 =	rddreg [dreg:$0x4]  }
0x6: {  	s3 =	simm.s32 $0x0;
	s6 =	srdreg.scid;
	s12 =	stileid.u32  }
0x7: {  	s8 =	simm.s32 $0x10;
	s11 =	simm.s32 $0x2;
	s13 =	simm.s32 $0x0  }
0x8: {  	[smem:$0x7FF] =	sst s3;
	s6 =	sand.u32 $0x1, s6;
	s10 =	sshll.u32 s12, $0xD  }
.Ltmp0:
0x9: {  	s8 =	sshll.u32 s8, s12;
	s4 =	sadd.s32 $0x600, s4;
	(pc) =	sbr.rel .LBB2_1-.Ltmp0, $4  }
0xa: {  	p0 =	sne.s32 s12, $0x0;
	_ =	strace $0x80000047;
	s7 =	ssub.s32 $0x2, s6;
	v0 =	vmov s8  }
0xb: {  	s5 =	sadd.s32 s5, s10;
	s6 =	sshll.u32 s6, $0x5;
	s9 =	sshrl.u32 s7, $0x1;
	v1 =	vcvt.s32.f32 v0  }
0xc: {  	s10 =	simm.s32 $0x1F280;
	v0 =	vlaneseq.u32;
	s9 =	ssub.s32 s7, s9;
	s7 =	sshll.u32 s12, $0xE  }
0xd: {  	v2 =	vor.u32 $0x4000, v0;
	s12 =	simm.s32 $0x17200;
	s8 =	smax.u32 s9, $0x1;
	s9 =	simm.s32 $0x1;
	v1 =	vbroadcast v1, $0x0  }
.LBB2_9:
0xe: {  	s13 =	sadd.s32 $0x1, s13  }
0xf: {  	p1 =	sne.s32 s13, s8  }
.Ltmp1:
0x10: {  	_ = 	snop;
	(pc) =	sbr.rel @!p1 .LBB2_10-.Ltmp1, $1  }
0x11: {  	_ =	sdelay $0x3  }
.LBB2_1:
0x12: {  	[tilespmem:s3], [sflag:$0x1] =	stream.linear.gather [hbm4b:s5+s3], $0x10000, $0x38;
	[tilespmem:$0x1F300] =	vst v63  }
0x13: {  	_ =	swait.ge [sflag:s9], $0x10000  }
0x14: {  	[sflag:s9] =	ssyncset.done $0x0  }
0x15: {  	[sflag:s9] =	ssyncadd.s32 $0xFFFF0000  }
0x16: {  	[tilespmem:s10], [sflag:$0x1] =	stream.linear.gather [hbm4b:s2+s3], $0x80, $0x38;
	[tilespmem:$0x1F300] =	vst v63  }
0x17: {  	_ =	swait.ge [sflag:s9], $0x80  }
0x18: {  	[sflag:s9] =	ssyncset.done $0x0  }
0x19: {  	[sflag:s9] =	ssyncadd.s32 $0xFFFFFF80  }
0x1a: {  	v3 =	vld [tilespmem:$0x1F2B0]  }
0x1b: {  	v4 =	vld [tilespmem:$0x1F2C0]  }
0x1c: {  	v5 =	vld [tilespmem:$0x1F2D0];
	_ =	sdelay $0x2  }
0x1d: {  	(erf) = vrcp.f32 v3  }
0x1e: {  	(erf) = vrcp.f32 v4  }
0x1f: {  	(erf) = vrcp.f32 v5;
	_ =	sdelay $0x4  }
.Ltmp2:
0x20: {  	_ = 	snop;
	(pc) =	sbr.rel .LBB2_2-.Ltmp2, $4  }
0x21: {  	_ = 	snop  }
0x22: {  	v6 =	vld [tilespmem:$0x1F290];
	v3 =	vpop (erf)  }
0x23: {  	v7 =	vld [tilespmem:$0x1F2A0];
	v5 =	vpop (erf)  }
0x24: {  	s14 =	simm.s32 $0x0;
	v4 =	vld [tilespmem:$0x1F280];
	v8 =	vpop (erf)  }
.LBB2_7:
0x25: {  	v15 =	vmul.f32 v27, v15  }
0x26: {  	v45 =	vshll.u32 v35, $0x10;
	v46 =	vand.u32 $0xFFFF0000, v35;
	v20 =	vadd.f32 v20, v34  }
0x27: {  	v29 =	vmul.f32 v29, v13;
	v23 =	vadd.f32 v23, v31;
	v25 =	vand.u32 $0xFFFF0000, v25  }
0x28: {  	v47 =	vmul.f32 v36, v14;
	v49 =	vshll.u32 v30, $0x10;
	v50 =	vand.u32 $0xFFFF0000, v30  }
0x29: {  	v28 =	vadd.f32 v28, v32;
	v21 =	vand.u32 $0xFFFF0000, v21;
	v53 =	vmul.f32 v33, v11  }
0x2a: {  	v22 =	vld.idx.msk [tilespmem:v22+s3+$0x0], $0xffff;
	v61 =	vadd.s32 $0x2000, v10;
	v62 =	vadd.s32 $0x3000, v10;
	v27 =	vmul.f32 v45, v11  }
0x2b: {  	v16 =	vld.idx.msk [tilespmem:v16+s3+$0x0], $0xffff;
	v48 =	vmul.f32 v25, v13;
	v25 =	vmul.f32 v49, v14;
	v15 =	vadd.f32 v15, v37  }
0x2c: {  	v51 =	vmul.f32 v50, v14;
	v20 =	vadd.f32 v24, v20;
	v17 =	vadd.f32 v17, v23  }
0x2d: {  	v52 =	vmul.f32 v46, v11;
	v28 =	vadd.f32 v29, v28;
	v13 =	vadd.f32 v48, v15  }
0x2e: {  	v11 =	vmul.f32 v21, v11;
	v54 =	vadd.f32 v26, v17;
	v55 =	vadd.f32 v19, v20  }
0x2f: {  	v57 =	vadd.f32 v47, v28;
	v56 =	vshll.u32 v22, $0x10;
	v58 =	vand.u32 $0xFFFF0000, v22  }
0x30: {  	v59 =	vshll.u32 v16, $0x10;
	v16 =	vand.u32 $0xFFFF0000, v16;
	v17 =	vadd.f32 v18, v55  }
0x31: {  	v15 =	vadd.f32 v25, v54;
	v60 =	vmul.f32 v59, v9;
	v20 =	vadd.f32 v27, v57  }
0x32: {  	v16 =	vmul.f32 v16, v9;
	v13 =	vadd.f32 v51, v13;
	v17 =	vadd.f32 v52, v17  }
0x33: {  	v19 =	vmul.f32 v56, v9;
	v15 =	vadd.f32 v53, v15;
	v18 =	vadd.f32 v60, v20  }
0x34: {  	v9 =	vmul.f32 v58, v9;
	v11 =	vadd.f32 v11, v13;
	v63 =	vadd.f32 v16, v17  }
0x35: {  	v15 =	vadd.f32 v19, v15;
	[tilespmem:v10+s12+$0x0] =	vst.idx.msk $0xffff, v18  }
0x36: {  	v9 =	vadd.f32 v9, v11;
	[tilespmem:v12+s12+$0x0] =	vst.idx.msk $0xffff, v63  }
0x37: {  	[tilespmem:v61+s12+$0x0] =	vst.idx.msk $0xffff, v15  }
0x38: {  	[tilespmem:v62+s12+$0x0] =	vst.idx.msk $0xffff, v9  }
.LBB2_8:
0x39: {  	s15 =	smul.u32 $0x48000, s15;
	_ =	sdelay $0x1  }
0x3a: {  	s16 =	sadd.s32 s7, s15  }
0x3b: {  	s16 =	sshrl.u32 s16, $0x3  }
0x3c: {  	s17 =	simm.s32 @!p0 $0x1E280;
	s16 =	sadd.s32 s4, s16  }
0x3d: {  	[hbm4b:s16+s3] =	stream.linear.scatter [tilespmem:s12], [sflag:$0x2], $0x4000, $0x38;
	[tilespmem:$0x1F300] =	vst v63  }
0x3e: {  	s14 =	sadd.s32 $0x1, s14;
	s15 =	sshrl.u32 @!p0 s15, $0x3;
	_ =	swait.ge [sflag:s11], $0x4000  }
0x3f: {  	p1 =	sne.s32 s14, $0x20;
	s15 =	sadd.s32 @!p0 s4, s15;
	[sflag:s11] =	ssyncset.done $0x0  }
0x40: {  	s15 =	sadd.s32 @!p0 $0x8000, s15;
	s16 =	simm.s32 @!p0 $0x0;
	[sflag:s11] =	ssyncadd.s32 $0xFFFFC000  }
0x41: {  	[hbm4b:s15+s16] =	stream.linear.scatter @!p0 [tilespmem:s17], [sflag:$0x1], $0x1000, $0x38;
	[tilespmem:$0x1F300] =	vst v63  }
.Ltmp3:
0x42: {  	_ = 	snop;
	(pc) =	sbr.rel @!p1 .LBB2_9-.Ltmp3, $4  }
0x43: {  	s15 =	simm.s32 @!p0 $0x1  }
0x44: {  	_ =	swait.ge @!p0 [sflag:s15], $0x1000  }
0x45: {  	[sflag:s15] =	ssyncset.done @!p0 $0x0  }
0x46: {  	[sflag:s15] =	ssyncadd.s32 @!p0 $0xFFFFF000  }
.LBB2_2:
0x47: {  	s15 =	sadd.s32 s6, s14  }
0x48: {  	s16 =	smul.u32 $0x600, s15;
	_ =	sdelay $0x1  }
0x49: {  	s18 =	simm.s32 $0x10000;
	s17 =	sadd.s32 s1, s16;
	s16 =	simm.s32 $0x0  }
0x4a: {  	[tilespmem:s18], [sflag:$0x2] =	stream.linear.gather [hbm4b:s17+s16], $0x3000, $0x38;
	[tilespmem:$0x1F300] =	vst v63  }
0x4b: {  	_ =	swait.ge [sflag:s11], $0x3000  }
0x4c: {  	[sflag:s11] =	ssyncset.done $0x0  }
0x4d: {  	[sflag:s11] =	ssyncadd.s32 $0xFFFFD000  }
0x4e: {  	s31 =	sand.u32 $0xFF0, s16;
	v9 =	vld [tilespmem:s18+$0x0]  }
0x4f: {  	v10 =	vld [tilespmem:s31+$0x11000];
	_ =	sdelay $0x2  }
0x50: {  	v11 =	vld [tilespmem:s31+$0x12000];
	_ =	sdelay $0x1  }
0x51: {  	v9 =	vsub.f32 v9, v4;
	v10 =	vsub.f32 v10, v6;
	_ =	sdelay $0x1  }
0x52: {  	v9 =	vmul.f32 v9, v3;
	v10 =	vmul.f32 v10, v5  }
0x53: {  	v11 =	vsub.f32 v11, v7  }
0x54: {  	vm0 =	vge.f32 v9, $0.0e+00;
	vm1 =	vge.f32 v10, $0.0e+00  }
0x55: {  	v11 =	vmul.f32 v11, v8;
	vm2 =	vle.f32 v9, $1.000000000e+00;
	vm0 =	vmand vm0, vm1  }
0x56: {  	vm1 =	vle.f32 v10, $1.000000000e+00;
	vm0 =	vmand vm0, vm2  }
0x57: {  	vm0 =	vmand vm1, vm0;
	vm1 =	vge.f32 v11, $0.0e+00  }
0x58: {  	vm0 =	vmand vm1, vm0;
	vm1 =	vle.f32 v11, $1.000000000e+00  }
0x59: {  	vm0 =	vmand vm1, vm0  }
0x5a: {  	[tilespmem:s16+$0x13000] =	vst.msk vm0, v9;
	v12 =	vmpcnt.ones.xlane vm0  }
0x5b: {  	[tilespmem:s16+$0x14080] =	vst.msk vm0, v10  }
0x5c: {  	v9 =	vimm.f32 @!p0 $0.0e+00;
	v10 =	vor.u32 s16, v0;
	[tilespmem:s16+$0x15100] =	vst.msk vm0, v11;
	(v2sf) =	vpush v12, $0x0  }
0x5d: {  	s17 =	simm.s32 $0x1E280;
	[tilespmem:s16+$0x16180] =	vst.msk vm0, v10;
	v10 =	vsel @!p0 vm0, $0x3F800000, v9  }
0x5e: {  	s19 =	simm.s32 $0x10010;
	s18 =	simm.s32 $0x10;
	[tilespmem:s17+$0x0] =	vst @!p0 v10  }
0x5f: {  	s20 =	sand.u32 $0xFF0, s18;
	v10 =	vld [tilespmem:s19+$0x0]  }
0x60: {  	v11 =	vld [tilespmem:s20+$0x11000];
	_ =	sdelay $0x3  }
0x61: {  	v12 =	vld [tilespmem:s20+$0x12000]  }
0x62: {  	v10 =	vsub.f32 v10, v4;
	v13 =	vsub.f32 v11, v6;
	_ =	sdelay $0x1  }
0x63: {  	v11 =	vmul.f32 v10, v3;
	v10 =	vmul.f32 v13, v5;
	_ =	sdelay $0x1  }
0x64: {  	v12 =	vsub.f32 v12, v7;
	vm0 =	vge.f32 v11, $0.0e+00;
	vm1 =	vge.f32 v10, $0.0e+00  }
0x65: {  	vm2 =	vle.f32 v11, $1.000000000e+00;
	vm0 =	vmand vm0, vm1  }
0x66: {  	s20 =	simm.s32 $0x20;
	v12 =	vmul.f32 v12, v8;
	vm1 =	vle.f32 v10, $1.000000000e+00;
	vm0 =	vmand vm0, vm2;
	s21 =	spop (v2sf)  }
.LBB2_3:
0x67: {  	s16 =	sadd.s32 s16, s21  }
0x68: {  	vm0 =	vmand vm1, vm0;
	vm1 =	vge.f32 v12, $0.0e+00;
	s17 =	sadd.s32 $0x10, s17;
	s21 =	smov.u32 s20;
	s20 =	sadd.s32 $0x10, s20  }
0x69: {  	p1 =	sne.s32 s20, $0x1000;
	vm0 =	vmand vm1, vm0;
	vm1 =	vle.f32 v12, $1.000000000e+00  }
0x6a: {  	vm0 =	vmand vm1, vm0  }
0x6b: {  	[tilespmem:s16+$0x13000] =	vst.msk vm0, v11;
	v11 =	vmpcnt.ones.xlane vm0  }
0x6c: {  	[tilespmem:s16+$0x14080] =	vst.msk vm0, v10  }
0x6d: {  	v10 =	vor.u32 s18, v0;
	s18 =	smov.u32 s21;
	[tilespmem:s16+$0x15100] =	vst.msk vm0, v12;
	(v2sf) =	vpush v11, $0x0  }
0x6e: {  	[tilespmem:s16+$0x16180] =	vst.msk vm0, v10;
	v10 =	vsel @!p0 vm0, $0x3F800000, v9  }
0x6f: {  	s19 =	sadd.s32 $0x10, s19;
	[tilespmem:s17+$0x0] =	vst @!p0 v10  }
0x70: {  	s21 =	sand.u32 $0xFF0, s18;
	v10 =	vld [tilespmem:s19+$0x0]  }
0x71: {  	v11 =	vld [tilespmem:s21+$0x11000];
	_ =	sdelay $0x2  }
0x72: {  	v12 =	vld [tilespmem:s21+$0x12000]  }
0x73: {  	v10 =	vsub.f32 v10, v4  }
0x74: {  	v13 =	vsub.f32 v11, v6  }
0x75: {  	v11 =	vmul.f32 v10, v3  }
.Ltmp4:
0x76: {  	v10 =	vmul.f32 v13, v5;
	(pc) =	sbr.rel @p1 .LBB2_3-.Ltmp4, $4  }
0x77: {  	v12 =	vsub.f32 v12, v7  }
0x78: {  	vm0 =	vge.f32 v11, $0.0e+00;
	vm1 =	vge.f32 v10, $0.0e+00  }
0x79: {  	vm2 =	vle.f32 v11, $1.000000000e+00;
	v12 =	vmul.f32 v12, v8;
	vm0 =	vmand vm0, vm1  }
0x7a: {  	vm1 =	vle.f32 v10, $1.000000000e+00;
	vm0 =	vmand vm0, vm2;
	s21 =	spop (v2sf)  }
0x7b: {  	vm0 =	vmand vm1, vm0;
	vm14 =	vge.f32 v12, $0.0e+00  }
0x7c: {  	vm15 =	vle.f32 v12, $1.000000000e+00;
	vm0 =	vmand vm14, vm0  }
0x7d: {  	vm0 =	vmand vm15, vm0  }
0x7e: {  	v9 =	vmpcnt.ones.xlane vm0;
	_ =	sdelay $0x1  }
0x7f: {  	(v2sf) =	vpush v9, $0x0;
	_ =	sdelay $0xe  }
0x80: {  	s16 =	sadd.s32 s16, s21;
	s19 =	spop (v2sf)  }
0x81: {  	s20 =	sadd.s32 s16, s19  }
0x82: {  	s31 =	sadd.s32 $0xF, s20  }
0x83: {  	s19 =	sshrl.u32 s31, $0x4  }
0x84: {  	[tilespmem:s16+$0x13000] =	vst.msk vm0, v11;
	p1 =	seq.s32 s19, $0x0  }
.Ltmp5:
0x85: {  	[tilespmem:s16+$0x14080] =	vst.msk vm0, v10;
	(pc) =	sbr.rel @p1 .LBB2_8-.Ltmp5, $4  }
0x86: {  	v10 =	vimm.f32 @!p0 $0.0e+00;
	[tilespmem:s16+$0x15100] =	vst.msk vm0, v12;
	v9 =	vor.u32 s18, v0  }
0x87: {  	s17 =	sadd.s32 $0x10, s17;
	[tilespmem:s16+$0x16180] =	vst.msk vm0, v9;
	v9 =	vsel @!p0 vm0, $0x3F800000, v10  }
0x88: {  	[tilespmem:s17+$0x0] =	vst @!p0 v9  }
0x89: {  	[tilespmem:s20+$0x16180] =	vst v2  }
0x8a: {  	s16 =	simm.s32 $0x13000  }
0x8b: {  	s17 =	simm.s32 $0x14080;
	v9 =	vld [tilespmem:s16+$0x0]  }
0x8c: {  	s18 =	simm.s32 $0x15100;
	v10 =	vld [tilespmem:s17+$0x0]  }
0x8d: {  	v11 =	vld [tilespmem:s18+$0x0];
	_ =	sdelay $0x3  }
0x8e: {  	v9 =	vmul.f32 v9, v1;
	v10 =	vmul.f32 v10, v1  }
0x8f: {  	v11 =	vmul.f32 v11, v1  }
0x90: {  	v12 =	vtrunc.f32 v9;
	v13 =	vtrunc.f32 v10  }
0x91: {  	v14 =	vtrunc.f32 v11;
	v13 =	vcvt.f32.s32 v13  }
0x92: {  	v12 =	vcvt.f32.s32 v12;
	v14 =	vcvt.f32.s32 v14  }
0x93: {  	v15 =	vcvt.s32.f32 v13;
	v13 =	vmul.u32 $0x9E3779B1, v13  }
0x94: {  	v16 =	vcvt.s32.f32 v12;
	v18 =	vmul.u32 $0x30025795, v14;
	v14 =	vcvt.s32.f32 v14  }
0x95: {  	v17 =	vadd.s32 $0x1, v12;
	v19 =	vadd.s32 $0x9E3779B1, v13;
	v20 =	vxor.u32 v12, v13  }
0x96: {  	v13 =	vxor.u32 v17, v13;
	v22 =	vadd.s32 $0x30025795, v18;
	v14 =	vsub.f32 v11, v14  }
0x97: {  	v10 =	vsub.f32 v10, v15;
	v9 =	vsub.f32 v9, v16;
	v21 =	vxor.u32 v18, v20  }
0x98: {  	v12 =	vxor.u32 v12, v19;
	v23 =	vxor.u32 v18, v13;
	v17 =	vxor.u32 v17, v19  }
0x99: {  	v19 =	vxor.u32 v20, v22;
	v13 =	vxor.u32 v13, v22;
	v21 =	vshll.u32 v21, $0x1  }
0x9a: {  	v24 =	vxor.u32 v18, v12;
	v12 =	vxor.u32 v22, v12;
	v15 =	vxor.u32 v18, v17  }
0x9b: {  	v17 =	vxor.u32 v22, v17;
	v18 =	vshll.u32 v23, $0x1;
	v21 =	vand.u32 $0xFFFE, v21  }
0x9c: {  	v20 =	vsub.f32 $1.000000000e+00, v10;
	v19 =	vshll.u32 v19, $0x1;
	v16 =	vand.u32 $0xFFFE, v18  }
0x9d: {  	v25 =	vsub.f32 $1.000000000e+00, v9;
	v15 =	vshll.u32 v15, $0x1;
	v11 =	vor.u32 $0x1, v21  }
0x9e: {  	v26 =	vsub.f32 $1.000000000e+00, v14;
	v24 =	vshll.u32 v24, $0x1;
	v15 =	vand.u32 $0xFFFE, v15  }
0x9f: {  	v17 =	vshll.u32 v17, $0x1;
	v19 =	vand.u32 $0xFFFE, v19;
	v24 =	vand.u32 $0xFFFE, v24  }
0xa0: {  	v12 =	vshll.u32 v12, $0x1;
	v23 =	vor.u32 $0x1, v16;
	v27 =	vmul.f32 v20, v9;
	v21 =	vld.idx.msk [tilespmem:v21+s3+$0x0], $0xffff  }
0xa1: {  	v22 =	vmul.f32 v10, v25;
	v10 =	vmul.f32 v10, v9;
	v28 =	vor.u32 $0x1, v24;
	v16 =	vld.idx.msk [tilespmem:v16+s3+$0x0], $0xffff  }
0xa2: {  	v9 =	vshll.u32 v13, $0x1;
	v13 =	vmul.f32 v20, v25;
	v18 =	vor.u32 $0x1, v15;
	v11 =	vld.idx.msk [tilespmem:v11+s3+$0x0], $0xffff  }
0xa3: {  	v35 =	vor.u32 $0x1, v19;
	v36 =	vand.u32 $0xFFFE, v12;
	v25 =	vand.u32 $0xFFFE, v9;
	v29 =	vld.idx.msk [tilespmem:v15+s3+$0x0], $0xffff  }
0xa4: {  	v40 =	vor.u32 $0x1, v36;
	v9 =	vmul.f32 v14, v10;
	v30 =	vmul.f32 v26, v13;
	v24 =	vld.idx.msk [tilespmem:v24+s3+$0x0], $0xffff  }
0xa5: {  	v31 =	vmul.f32 v26, v27;
	v33 =	vor.u32 $0x1, v25;
	v13 =	vmul.f32 v13, v14;
	v23 =	vld.idx.msk [tilespmem:v23+s3+$0x0], $0xffff  }
0xa6: {  	v12 =	vld.idx.msk [tilespmem:v28+s3+$0x0], $0xffff;
	v20 =	vshll.u32 v21, $0x10;
	v21 =	vand.u32 $0xFFFF0000, v21;
	v28 =	vshll.u32 v16, $0x10  }
0xa7: {  	v18 =	vld.idx.msk [tilespmem:v18+s3+$0x0], $0xffff;
	v15 =	vshll.u32 v11, $0x10;
	v32 =	vand.u32 $0xFFFF0000, v11;
	v11 =	vmul.f32 v14, v22  }
0xa8: {  	v44 =	vld.idx.msk [tilespmem:v25+s3+$0x0], $0xffff;
	v16 =	vand.u32 $0xFFFF0000, v16;
	v20 =	vmul.f32 v20, v30;
	v28 =	vmul.f32 v28, v31  }
0xa9: {  	v25 =	vld.idx.msk [tilespmem:v35+s3+$0x0], $0xffff;
	v37 =	vshll.u32 v29, $0x10;
	v38 =	vmul.f32 v16, v31;
	v16 =	vand.u32 $0xFFFF0000, v24  }
0xaa: {  	v29 =	vand.u32 $0xFFFF0000, v29;
	v14 =	vmul.f32 v27, v14;
	v21 =	vmul.f32 v21, v30  }
0xab: {  	v41 =	vand.u32 $0xFFFF0000, v23;
	v34 =	vmul.f32 v15, v30;
	v15 =	vmul.f32 v26, v10  }
0xac: {  	v19 =	vld.idx.msk [tilespmem:v19+s3+$0x0], $0xffff;
	v42 =	vshll.u32 v24, $0x10;
	v32 =	vmul.f32 v32, v30;
	v26 =	vmul.f32 v26, v22  }
0xad: {  	v22 =	vshll.u32 v23, $0x10;
	v43 =	vand.u32 $0xFFFF0000, v12;
	v12 =	vshll.u32 v12, $0x10  }
0xae: {  	v27 =	vand.u32 $0xFFFF0000, v18;
	v60 =	vmul.f32 v41, v31;
	v63 =	vshll.u32 v25, $0x10  }
0xaf: {  	v35 =	vld.idx.msk [tilespmem:v36+s3+$0x0], $0xffff;
	v36 =	vshll.u32 v44, $0x10;
	v39 =	vadd.f32 $0.0e+00, v20;
	v30 =	vmul.f32 v22, v31  }
0xb0: {  	v45 =	vadd.f32 $0.0e+00, v21;
	v20 =	vmul.f32 v16, v26;
	v16 =	vand.u32 $0xFFFE, v17  }
0xb1: {  	s20 =	simm.s32 $0x16180;
	v17 =	vshll.u32 v18, $0x10;
	v23 =	vmul.f32 v12, v26;
	v18 =	vand.u32 $0xFFFF0000, v19  }
0xb2: {  	v10 =	vld [tilespmem:s20+$0x0];
	v34 =	vadd.f32 $0.0e+00, v34;
	v32 =	vadd.f32 $0.0e+00, v32;
	v24 =	vmul.f32 v29, v15  }
0xb3: {  	p1 =	sne.s32 s19, $0x1;
	v21 =	vld.idx.msk [tilespmem:v40+s3+$0x0], $0xffff;
	v29 =	vshll.u32 v19, $0x10;
	v62 =	vmul.f32 v42, v26;
	v26 =	vmul.f32 v43, v26  }
.Ltmp6:
0xb4: {  	v22 =	vor.u32 $0x1, v16;
	v17 =	vmul.f32 v17, v15;
	v19 =	vmul.f32 v18, v13;
	(pc) =	sbr.rel @!p1 .LBB2_7-.Ltmp6, $4  }
0xb5: {  	v18 =	vand.u32 $0xFFFF0000, v44;
	v31 =	vadd.f32 v30, v34;
	v30 =	vadd.f32 v39, v28  }
0xb6: {  	v61 =	vadd.f32 v60, v32;
	v18 =	vmul.f32 v18, v14;
	v34 =	vadd.f32 v45, v38  }
0xb7: {  	v28 =	vmul.f32 v37, v15;
	v12 =	vadd.s32 $0x1000, v10;
	v32 =	vadd.f32 v62, v30;
	v30 =	vld.idx.msk [tilespmem:v33+s3+$0x0], $0xffff  }
0xb8: {  	s19 =	sadd.s32 $0xFFFFFFFF, s19;
	s20 =	simm.s32 $0x16190;
	v37 =	vadd.f32 v26, v61;
	v26 =	vmul.f32 v63, v13;
	v33 =	vshll.u32 v21, $0x10  }
.LBB2_6:
0xb9: {  	v15 =	vmul.f32 v27, v15;
	v27 =	vshll.u32 v35, $0x10;
	v35 =	vand.u32 $0xFFFF0000, v35;
	s16 =	sadd.s32 $0x10, s16;
	s17 =	sadd.s32 $0x10, s17;
	s18 =	sadd.s32 $0x10, s18  }
0xba: {  	p1 =	sne.s32 s19, $0x1;
	s19 =	sadd.s32 $0xFFFFFFFF, s19;
	v20 =	vadd.f32 v20, v34;
	v29 =	vmul.f32 v29, v13;
	v27 =	vmul.f32 v27, v11  }
0xbb: {  	v23 =	vadd.f32 v23, v31;
	v25 =	vand.u32 $0xFFFF0000, v25;
	v31 =	vmul.f32 v36, v14;
	v22 =	vld.idx.msk [tilespmem:v22+s3+$0x0], $0xffff  }
0xbc: {  	v13 =	vmul.f32 v25, v13;
	v25 =	vshll.u32 v30, $0x10;
	v15 =	vadd.f32 v15, v37  }
0xbd: {  	v20 =	vadd.f32 v24, v20;
	v24 =	vand.u32 $0xFFFF0000, v30;
	v25 =	vmul.f32 v25, v14;
	v16 =	vld.idx.msk [tilespmem:v16+s3+$0x0], $0xffff  }
0xbe: {  	v28 =	vadd.f32 v28, v32;
	v14 =	vmul.f32 v24, v14;
	v24 =	vmul.f32 v35, v11  }
0xbf: {  	v21 =	vand.u32 $0xFFFF0000, v21;
	v17 =	vadd.f32 v17, v23;
	v23 =	vmul.f32 v33, v11  }
0xc0: {  	v28 =	vadd.f32 v29, v28;
	v11 =	vmul.f32 v21, v11;
	v13 =	vadd.f32 v13, v15  }
0xc1: {  	v15 =	vadd.f32 v19, v20;
	v17 =	vadd.f32 v26, v17;
	v19 =	vshll.u32 v22, $0x10  }
0xc2: {  	v20 =	vadd.f32 v31, v28;
	v21 =	vand.u32 $0xFFFF0000, v22;
	v19 =	vmul.f32 v19, v9  }
0xc3: {  	v17 =	vadd.f32 v25, v17;
	v22 =	vshll.u32 v16, $0x10;
	v16 =	vand.u32 $0xFFFF0000, v16  }
0xc4: {  	v15 =	vadd.f32 v18, v15;
	v18 =	vmul.f32 v22, v9;
	v16 =	vmul.f32 v16, v9  }
0xc5: {  	v13 =	vadd.f32 v14, v13;
	v14 =	vadd.f32 v27, v20;
	v20 =	vadd.s32 $0x2000, v10  }
0xc6: {  	v15 =	vadd.f32 v24, v15;
	v17 =	vadd.f32 v23, v17;
	v22 =	vadd.s32 $0x3000, v10  }
0xc7: {  	v11 =	vadd.f32 v11, v13;
	v9 =	vmul.f32 v21, v9;
	v13 =	vadd.f32 v18, v14  }
0xc8: {  	v14 =	vadd.f32 v16, v15;
	v15 =	vadd.f32 v19, v17  }
0xc9: {  	v9 =	vadd.f32 v9, v11;
	[tilespmem:v10+s12+$0x0] =	vst.idx.msk $0xffff, v13  }
0xca: {  	[tilespmem:v12+s12+$0x0] =	vst.idx.msk $0xffff, v14  }
0xcb: {  	[tilespmem:v20+s12+$0x0] =	vst.idx.msk $0xffff, v15  }
0xcc: {  	[tilespmem:v22+s12+$0x0] =	vst.idx.msk $0xffff, v9  }
0xcd: {  	v9 =	vld [tilespmem:s16+$0x0]  }
0xce: {  	v10 =	vld [tilespmem:s17+$0x0]  }
0xcf: {  	v11 =	vld [tilespmem:s18+$0x0];
	_ =	sdelay $0x2  }
0xd0: {  	v9 =	vmul.f32 v9, v1  }
0xd1: {  	v10 =	vmul.f32 v10, v1  }
0xd2: {  	v11 =	vmul.f32 v11, v1;
	v12 =	vtrunc.f32 v9  }
0xd3: {  	v13 =	vtrunc.f32 v10  }
0xd4: {  	v13 =	vcvt.f32.s32 v13;
	v14 =	vtrunc.f32 v11  }
0xd5: {  	v12 =	vcvt.f32.s32 v12;
	v14 =	vcvt.f32.s32 v14  }
0xd6: {  	v15 =	vcvt.s32.f32 v13;
	v13 =	vmul.u32 $0x9E3779B1, v13  }
0xd7: {  	v16 =	vcvt.s32.f32 v12;
	v17 =	vadd.s32 $0x1, v12;
	v18 =	vmul.u32 $0x30025795, v14  }
0xd8: {  	v19 =	vadd.s32 $0x9E3779B1, v13;
	v20 =	vxor.u32 v12, v13;
	v13 =	vxor.u32 v17, v13  }
0xd9: {  	v14 =	vcvt.s32.f32 v14;
	v21 =	vxor.u32 v18, v20;
	v12 =	vxor.u32 v12, v19  }
0xda: {  	v22 =	vadd.s32 $0x30025795, v18;
	v23 =	vxor.u32 v18, v13;
	v21 =	vshll.u32 v21, $0x1  }
0xdb: {  	v24 =	vxor.u32 v18, v12;
	v12 =	vxor.u32 v22, v12;
	v21 =	vand.u32 $0xFFFE, v21  }
0xdc: {  	v14 =	vsub.f32 v11, v14;
	v17 =	vxor.u32 v17, v19;
	v11 =	vor.u32 $0x1, v21  }
0xdd: {  	v10 =	vsub.f32 v10, v15;
	v15 =	vxor.u32 v18, v17;
	v17 =	vxor.u32 v22, v17  }
0xde: {  	v18 =	vshll.u32 v23, $0x1;
	v19 =	vxor.u32 v20, v22;
	v15 =	vshll.u32 v15, $0x1  }
0xdf: {  	v20 =	vsub.f32 $1.000000000e+00, v10;
	v19 =	vshll.u32 v19, $0x1;
	v15 =	vand.u32 $0xFFFE, v15  }
0xe0: {  	v9 =	vsub.f32 v9, v16;
	v18 =	vand.u32 $0xFFFE, v18;
	v16 =	vld.idx.msk [tilespmem:v21+s3+$0x0], $0xffff;
	v21 =	vor.u32 $0x1, v15  }
0xe1: {  	v24 =	vshll.u32 v24, $0x1;
	v17 =	vshll.u32 v17, $0x1;
	v23 =	vor.u32 $0x1, v18  }
0xe2: {  	v25 =	vsub.f32 $1.000000000e+00, v9;
	v26 =	vsub.f32 $1.000000000e+00, v14;
	v24 =	vand.u32 $0xFFFE, v24;
	v11 =	vld.idx.msk [tilespmem:v11+s3+$0x0], $0xffff  }
0xe3: {  	v13 =	vxor.u32 v13, v22;
	v27 =	vmul.f32 v20, v9;
	v28 =	vor.u32 $0x1, v24  }
0xe4: {  	v22 =	vmul.f32 v10, v25;
	v10 =	vmul.f32 v10, v9;
	v9 =	vshll.u32 v13, $0x1  }
0xe5: {  	v13 =	vmul.f32 v20, v25;
	v19 =	vand.u32 $0xFFFE, v19;
	v25 =	vand.u32 $0xFFFE, v9;
	v18 =	vld.idx.msk [tilespmem:v18+s3+$0x0], $0xffff  }
0xe6: {  	v9 =	vmul.f32 v14, v10;
	v20 =	vshll.u32 v16, $0x10;
	v16 =	vand.u32 $0xFFFF0000, v16;
	v29 =	vld.idx.msk [tilespmem:v15+s3+$0x0], $0xffff  }
0xe7: {  	v30 =	vmul.f32 v26, v13;
	v31 =	vmul.f32 v26, v27;
	v32 =	vor.u32 $0x1, v25;
	v24 =	vld.idx.msk [tilespmem:v24+s3+$0x0], $0xffff  }
0xe8: {  	v15 =	vshll.u32 v11, $0x10;
	v33 =	vand.u32 $0xFFFF0000, v11;
	v11 =	vmul.f32 v14, v22  }
0xe9: {  	v12 =	vshll.u32 v12, $0x1;
	v35 =	vor.u32 $0x1, v19;
	v34 =	vmul.f32 v15, v30;
	v23 =	vld.idx.msk [tilespmem:v23+s3+$0x0], $0xffff  }
0xea: {  	v36 =	vand.u32 $0xFFFE, v12;
	v13 =	vmul.f32 v13, v14;
	v20 =	vmul.f32 v20, v30;
	v28 =	vld.idx.msk [tilespmem:v28+s3+$0x0], $0xffff  }
0xeb: {  	v15 =	vmul.f32 v26, v10;
	v12 =	vshll.u32 v18, $0x10;
	v18 =	vand.u32 $0xFFFF0000, v18  }
0xec: {  	v33 =	vmul.f32 v33, v30;
	v37 =	vmul.f32 v12, v31;
	v38 =	vshll.u32 v29, $0x10;
	v21 =	vld.idx.msk [tilespmem:v21+s3+$0x0], $0xffff  }
0xed: {  	v39 =	vmul.f32 v18, v31;
	v18 =	vand.u32 $0xFFFF0000, v29;
	v12 =	vand.u32 $0xFFFF0000, v24;
	v10 =	vld [tilespmem:s20+$0x0]  }
0xee: {  	v40 =	vadd.f32 $0.0e+00, v20;
	v26 =	vmul.f32 v26, v22;
	v29 =	vor.u32 $0x1, v36;
	v19 =	vld.idx.msk [tilespmem:v19+s3+$0x0], $0xffff  }
0xef: {  	v14 =	vmul.f32 v27, v14;
	v42 =	vshll.u32 v24, $0x10;
	v41 =	vand.u32 $0xFFFF0000, v23  }
0xf0: {  	v20 =	vmul.f32 v12, v26;
	v22 =	vshll.u32 v23, $0x10;
	v43 =	vand.u32 $0xFFFF0000, v28  }
0xf1: {  	v12 =	vmul.f32 v16, v30;
	v16 =	vand.u32 $0xFFFE, v17;
	v30 =	vmul.f32 v22, v31;
	v44 =	vld.idx.msk [tilespmem:v25+s3+$0x0], $0xffff  }
0xf2: {  	v17 =	vshll.u32 v28, $0x10;
	v22 =	vor.u32 $0x1, v16;
	v24 =	vshll.u32 v21, $0x10  }
0xf3: {  	v28 =	vadd.f32 $0.0e+00, v12;
	v23 =	vmul.f32 v17, v26;
	v12 =	vadd.s32 $0x1000, v10  }
0xf4: {  	v27 =	vand.u32 $0xFFFF0000, v21;
	v17 =	vmul.f32 v24, v15;
	v25 =	vld.idx.msk [tilespmem:v35+s3+$0x0], $0xffff;
	v35 =	vand.u32 $0xFFFF0000, v19  }
0xf5: {  	v34 =	vadd.f32 $0.0e+00, v34;
	v33 =	vadd.f32 $0.0e+00, v33;
	v41 =	vmul.f32 v41, v31;
	v21 =	vld.idx.msk [tilespmem:v29+s3+$0x0], $0xffff  }
0xf6: {  	v24 =	vmul.f32 v18, v15;
	v29 =	vshll.u32 v19, $0x10;
	v19 =	vmul.f32 v35, v13;
	v35 =	vld.idx.msk [tilespmem:v36+s3+$0x0], $0xffff  }
.Ltmp7:
0xf7: {  	v31 =	vadd.f32 v30, v34;
	v33 =	vadd.f32 v41, v33;
	v18 =	vand.u32 $0xFFFF0000, v44;
	v30 =	vld.idx.msk [tilespmem:v32+s3+$0x0], $0xffff;
	(pc) =	sbr.rel @p1 .LBB2_6-.Ltmp7, $4  }
0xf8: {  	v36 =	vmul.f32 v42, v26;
	v32 =	vadd.f32 v40, v37;
	v18 =	vmul.f32 v18, v14  }
0xf9: {  	v34 =	vadd.f32 v28, v39;
	v28 =	vmul.f32 v38, v15;
	v26 =	vmul.f32 v43, v26  }
0xfa: {  	v32 =	vadd.f32 v36, v32;
	v38 =	vshll.u32 v25, $0x10;
	v36 =	vshll.u32 v44, $0x10  }
0xfb: {  	s20 =	sadd.s32 $0x10, s20;
	v37 =	vadd.f32 v26, v33;
	v26 =	vmul.f32 v38, v13;
	v33 =	vshll.u32 v21, $0x10  }
.Ltmp8:
0xfc: {  	_ = 	snop;
	(pc) =	sbr.rel .LBB2_7-.Ltmp8, $1  }
0xfd: {  	_ =	sdelay $0x3  }
.LBB2_10:
0xfe: {  	_ =	sfence.sel $0x180000  }
0xff: {  	[bflag:$0x0] =	sbarrier.arrive $0xFFFF  }
0x100: {  	_ =	strace $0x90000047  }
0x101: {  	s0 =	sadd.s32 @!p0 $0x100000, s0;
	[bflag:$0x2] =	sbarrier.arrive $0xFFFF  }
0x102: {  	[sflag:s0] =	ssyncadd.tile.s32 @!p0 $0x1;
	_ =	shalt  }
.Lfunc_end2:
_tile_overlayer_lowered:
.L_overlay_start_2:
0x103: {  	(tag) =	ssettag $0x2  }
0x104: {  	s0 =	rddreg [dreg:$0x0];
	s2 =	stileid.u32  }
0x105: {  	s1 =	rddreg [dreg:$0x1];
	p0 =	sne.s32 s2, $0x0  }
0x106: {  	s3 =	rddreg [dreg:$0x2];
	[bflag:$0x3] =	sbarrier.arrive $0xFFFF;
	s2 =	simm.s32 @!p0 $0x1C01  }
0x107: {  	[timem:s3], [sflag:s2] =	dma.local @!p0 [hbm:s0], s1  }
0x108: {  	s0 =	simm.s32 @!p0 $0x1  }
0x109: {  	_ =	swait.ge @!p0 [sflag:s0], s1  }
0x10a: {  	s1 =	ssub.s32 @!p0 $0x0, s1;
	[sflag:s0] =	ssyncset.done @!p0 $0x0  }
0x10b: {  	[sflag:s0] =	ssyncadd.s32 @!p0 s1  }
0x10c: {  	[bflag:$0x3] =	sbarrier.arrive $0xFFFF  }
0x10d: {  	_ =	shalt  }

</sc_bundles>
